<compile_context>
chip_gen: v7x
topology: tpu7x:2x2x1
jax: 0.10.2.dev20260603
libtpu: 0.0.44.dev20260713+nightly
codegen_flags: <defaults>
</compile_context>

<pallas_src>
import jax
import jax.numpy as jnp
from jax import lax
from jax.experimental import pallas as pl
from jax.experimental.pallas import tpu as pltpu
from jax.experimental.pallas import tpu_sc as plsc

BATCH = 16384
VOCAB = 1000000
DIM = 12
EPS = 1e-5

NCORES = 1
NSUB = 16
NW = NCORES * NSUB
RPT = BATCH // NW


def _gather_body(x_hbm, table_hbm, e_hbm, idx_v, *sems):
    cid = lax.axis_index("c")
    sid = lax.axis_index("s")
    wid = cid * NSUB + sid
    base = wid * RPT

    pltpu.sync_copy(x_hbm.at[pl.ds(base, RPT)], idx_v)

    def fire(g, carry):
        ivec = idx_v[pl.ds(16 * g, 16)]
        for l in range(16):
            xi = lax.squeeze(lax.slice(ivec, (l,), (l + 1,)), (0,))
            pltpu.make_async_copy(
                table_hbm.at[pl.ds(xi, 1)],
                e_hbm.at[pl.ds(base + 16 * g + l, 1)],
                sems[l % 8]).start()
        return carry

    lax.fori_loop(0, RPT // 16, fire, 0, unroll=2)

    def drain(i, carry):
        for q in range(8):
            pltpu.make_async_copy(
                table_hbm.at[pl.ds(0, 1)],
                e_hbm.at[pl.ds(base, 1)],
                sems[q]).wait()
        return carry

    lax.fori_loop(0, RPT // 8, drain, 0, unroll=4)


def _bn_body(e_ref, g_ref, b_ref, y_ref):
    e = e_ref[...]
    mean = jnp.mean(e, axis=0, keepdims=True)
    var = jnp.mean((e - mean) * (e - mean), axis=0, keepdims=True)
    inv = lax.rsqrt(var + EPS)
    y_ref[...] = (e - mean) * (inv * g_ref[...]) + b_ref[...]


@jax.jit
def kernel(x, table, gamma, beta):
    x = x.astype(jnp.int32)

    mesh = plsc.VectorSubcoreMesh(
        core_axis_name="c", subcore_axis_name="s", num_cores=NCORES)
    gather = pl.kernel(
        _gather_body,
        out_type=jax.ShapeDtypeStruct((BATCH, DIM), jnp.float32),
        mesh=mesh,
        scratch_types=[
            pltpu.VMEM((RPT,), jnp.int32),
        ] + [pltpu.SemaphoreType.DMA] * 8,
        compiler_params=pltpu.CompilerParams(
            use_tc_tiling_on_sc=True, needs_layout_passes=False),
    )
    e = gather(x, table)

    y = pl.pallas_call(
        _bn_body,
        out_shape=jax.ShapeDtypeStruct((BATCH, DIM), jnp.float32),
    )(e, gamma.reshape(1, DIM), beta.reshape(1, DIM))
    return y

# --- scband reference (transcript-rebuilt; emitter-appended) ---
"""Pipeline reference for scband-metadata-68118181315203 (READ-ONLY COPY).

The authoritative reference and input builder live on the scoring server;
editing this copy changes nothing except your own understanding.
"""

import jax, jax.numpy as jnp
import numpy as np

BATCH = 16384
VOCAB = 1000000
DIM = 12
EPS = 1e-5

def setup_inputs(seed: int = 0) -> dict:
    key = jax.random.key(seed)
    k1, k2 = jax.random.split(key)
    x = jax.random.randint(k1, (BATCH,), 0, VOCAB)
    table = jax.random.normal(k2, (VOCAB, DIM), dtype=jnp.float32)
    gamma = jnp.ones((DIM,), dtype=jnp.float32)
    beta = jnp.zeros((DIM,), dtype=jnp.float32)
    return {"x": x, "table": table, "gamma": gamma, "beta": beta}

def reference(x, table, gamma, beta):
    # nn.Embedding lookup
    e = jnp.take(table, x, axis=0)
    # nn.BatchNorm1d(12) in training mode: batch statistics (biased variance)
    mean = jnp.mean(e, axis=0)
    var = jnp.var(e, axis=0)
    y = (e - mean) / jnp.sqrt(var + EPS) * gamma + beta
    return y

if __name__ == "__main__":
    import jax
    _d = setup_inputs()
    print(jax.jit(kernel)(*tuple(_d.values())))

</pallas_src>

<mosaic_0001>
#map = affine_map<(d0, d1) -> (0)>
#map1 = affine_map<(d0, d1) -> (0, 0)>
module attributes {stable_mosaic.version = 14 : i64} {
  func.func @_gather_body(%arg0: i32, %arg1: i32, %arg2: memref<16384xi32, #tpu.memory_space<hbm>>, %arg3: memref<1000000x12xf32, #tpu.memory_space<hbm>>, %arg4: memref<16384x12xf32, #tpu.memory_space<hbm>>, %arg5: memref<1024xi32, #tpu.memory_space<vmem>>, %arg6: memref<!tpu.dma_semaphore, #tpu.memory_space<semaphore_mem>>, %arg7: memref<!tpu.dma_semaphore, #tpu.memory_space<semaphore_mem>>, %arg8: memref<!tpu.dma_semaphore, #tpu.memory_space<semaphore_mem>>, %arg9: memref<!tpu.dma_semaphore, #tpu.memory_space<semaphore_mem>>, %arg10: memref<!tpu.dma_semaphore, #tpu.memory_space<semaphore_mem>>, %arg11: memref<!tpu.dma_semaphore, #tpu.memory_space<semaphore_mem>>, %arg12: memref<!tpu.dma_semaphore, #tpu.memory_space<semaphore_mem>>, %arg13: memref<!tpu.dma_semaphore, #tpu.memory_space<semaphore_mem>>) attributes {dimension_semantics = [#tpu.dimension_semantics<core_parallel>, #tpu.dimension_semantics<subcore_parallel>], iteration_bounds = array<i64: 1, 16>, scalar_prefetch = 0 : i64, scratch_operands = 9 : i64, tpu.core_type = #tpu.core_type<sc_vector_subcore>, window_params = [{transform_indices = #map}, {transform_indices = #map1}, {transform_indices = #map1}]} {
    %mul3A = arith.constant 16 : i32
    %mul3A_0 = arith.muli %arg0, %mul3A : i32
    %add3A = arith.addi %mul3A_0, %arg1 : i32
    %mul3A_1 = arith.constant 1024 : i32
    %mul3A_2 = arith.muli %add3A, %mul3A_1 : i32
    "tpu.region"() ({
      %run_scoped3A = tpu.sem_alloc : memref<!tpu.dma_semaphore, #tpu.memory_space<semaphore_mem>>
      %dma_start3A = tpu.memref_slice %arg2[%mul3A_2] : memref<16384xi32, #tpu.memory_space<hbm>> -> memref<1024xi32, #tpu.memory_space<hbm>>
      %dma_start3A_14 = tpu.memref_slice %arg2[%mul3A_2] : memref<16384xi32, #tpu.memory_space<hbm>> -> memref<1024xi32, #tpu.memory_space<hbm>>
      tpu.enqueue_dma source(%dma_start3A_14 : memref<1024xi32, #tpu.memory_space<hbm>>) target(%arg5 : memref<1024xi32, #tpu.memory_space<vmem>>) target_semaphore(%run_scoped3A : memref<!tpu.dma_semaphore, #tpu.memory_space<semaphore_mem>>)
      %dma_wait3A = tpu.memref_slice %arg2[%mul3A_2] : memref<16384xi32, #tpu.memory_space<hbm>> -> memref<1024xi32, #tpu.memory_space<hbm>>
      %dma_wait3A_15 = tpu.memref_slice %arg2[%mul3A_2] : memref<16384xi32, #tpu.memory_space<hbm>> -> memref<1024xi32, #tpu.memory_space<hbm>>
      tpu.wait_dma2 semaphore(%run_scoped3A : memref<!tpu.dma_semaphore, #tpu.memory_space<semaphore_mem>>) src(%dma_wait3A_15 : memref<1024xi32, #tpu.memory_space<hbm>>) dst(%arg5 : memref<1024xi32, #tpu.memory_space<vmem>>)
      tpu.yield
    }) : () -> ()
    %scan3A = arith.constant 0 : i32
    %scan3A_3 = arith.constant 0 : i32
    %scan3A_4 = arith.constant 64 : i32
    %scan3A_5 = arith.addi %scan3A_3, %scan3A_4 : i32
    %scan3A_6 = arith.constant 2 : i32
    scf.for %scan3A_14 = %scan3A_3 to %scan3A_5 step %scan3A_6  : i32 {
      %mul3A_15 = arith.constant 16 : i32
      %mul3A_16 = arith.muli %mul3A_15, %scan3A_14 : i32
      %get3A = arith.index_cast %mul3A_16 : i32 to index
      %get3A_17 = tpu.vector_load %arg5[%get3A] {strides = array<i32>} : memref<1024xi32, #tpu.memory_space<vmem>>, vector<16xi32>,
      %slice3A = vector.extract_strided_slice %get3A_17 {offsets = [0], sizes = [1], strides = [1]} : vector<16xi32> to vector<1xi32>
      %squeeze3A = vector.extract %slice3A[0] : i32 from vector<1xi32>
      %mul3A_18 = arith.constant 16 : i32
      %mul3A_19 = arith.muli %mul3A_18, %scan3A_14 : i32
      %add3A_20 = arith.addi %mul3A_2, %mul3A_19 : i32
      %add3A_21 = arith.constant 0 : i32
      %add3A_22 = arith.addi %add3A_20, %add3A_21 : i32
      %dma_start3A = arith.constant 0 : i32
      %dma_start3A_23 = tpu.memref_slice %arg4[%add3A_22, %dma_start3A] : memref<16384x12xf32, #tpu.memory_space<hbm>> -> memref<1x12xf32, #tpu.memory_space<hbm>>
      %dma_start3A_24 = arith.constant 0 : i32
      %dma_start3A_25 = tpu.memref_slice %arg3[%squeeze3A, %dma_start3A_24] : memref<1000000x12xf32, #tpu.memory_space<hbm>> -> memref<1x12xf32, #tpu.memory_space<hbm>>
      tpu.enqueue_dma source(%dma_start3A_25 : memref<1x12xf32, #tpu.memory_space<hbm>>) target(%dma_start3A_23 : memref<1x12xf32, #tpu.memory_space<hbm>>) target_semaphore(%arg6 : memref<!tpu.dma_semaphore, #tpu.memory_space<semaphore_mem>>)
      %slice3A_26 = vector.extract_strided_slice %get3A_17 {offsets = [1], sizes = [1], strides = [1]} : vector<16xi32> to vector<1xi32>
      %squeeze3A_27 = vector.extract %slice3A_26[0] : i32 from vector<1xi32>
      %mul3A_28 = arith.constant 16 : i32
      %mul3A_29 = arith.muli %mul3A_28, %scan3A_14 : i32
      %add3A_30 = arith.addi %mul3A_2, %mul3A_29 : i32
      %add3A_31 = arith.constant 1 : i32
      %add3A_32 = arith.addi %add3A_30, %add3A_31 : i32
      %dma_start3A_33 = arith.constant 0 : i32
      %dma_start3A_34 = tpu.memref_slice %arg4[%add3A_32, %dma_start3A_33] : memref<16384x12xf32, #tpu.memory_space<hbm>> -> memref<1x12xf32, #tpu.memory_space<hbm>>
      %dma_start3A_35 = arith.constant 0 : i32
      %dma_start3A_36 = tpu.memref_slice %arg3[%squeeze3A_27, %dma_start3A_35] : memref<1000000x12xf32, #tpu.memory_space<hbm>> -> memref<1x12xf32, #tpu.memory_space<hbm>>
      tpu.enqueue_dma source(%dma_start3A_36 : memref<1x12xf32, #tpu.memory_space<hbm>>) target(%dma_start3A_34 : memref<1x12xf32, #tpu.memory_space<hbm>>) target_semaphore(%arg7 : memref<!tpu.dma_semaphore, #tpu.memory_space<semaphore_mem>>)
      %slice3A_37 = vector.extract_strided_slice %get3A_17 {offsets = [2], sizes = [1], strides = [1]} : vector<16xi32> to vector<1xi32>
      %squeeze3A_38 = vector.extract %slice3A_37[0] : i32 from vector<1xi32>
      %mul3A_39 = arith.constant 16 : i32
      %mul3A_40 = arith.muli %mul3A_39, %scan3A_14 : i32
      %add3A_41 = arith.addi %mul3A_2, %mul3A_40 : i32
      %add3A_42 = arith.constant 2 : i32
      %add3A_43 = arith.addi %add3A_41, %add3A_42 : i32
      %dma_start3A_44 = arith.constant 0 : i32
      %dma_start3A_45 = tpu.memref_slice %arg4[%add3A_43, %dma_start3A_44] : memref<16384x12xf32, #tpu.memory_space<hbm>> -> memref<1x12xf32, #tpu.memory_space<hbm>>
      %dma_start3A_46 = arith.constant 0 : i32
      %dma_start3A_47 = tpu.memref_slice %arg3[%squeeze3A_38, %dma_start3A_46] : memref<1000000x12xf32, #tpu.memory_space<hbm>> -> memref<1x12xf32, #tpu.memory_space<hbm>>
      tpu.enqueue_dma source(%dma_start3A_47 : memref<1x12xf32, #tpu.memory_space<hbm>>) target(%dma_start3A_45 : memref<1x12xf32, #tpu.memory_space<hbm>>) target_semaphore(%arg8 : memref<!tpu.dma_semaphore, #tpu.memory_space<semaphore_mem>>)
      %slice3A_48 = vector.extract_strided_slice %get3A_17 {offsets = [3], sizes = [1], strides = [1]} : vector<16xi32> to vector<1xi32>
      %squeeze3A_49 = vector.extract %slice3A_48[0] : i32 from vector<1xi32>
      %mul3A_50 = arith.constant 16 : i32
      %mul3A_51 = arith.muli %mul3A_50, %scan3A_14 : i32
      %add3A_52 = arith.addi %mul3A_2, %mul3A_51 : i32
      %add3A_53 = arith.constant 3 : i32
      %add3A_54 = arith.addi %add3A_52, %add3A_53 : i32
      %dma_start3A_55 = arith.constant 0 : i32
      %dma_start3A_56 = tpu.memref_slice %arg4[%add3A_54, %dma_start3A_55] : memref<16384x12xf32, #tpu.memory_space<hbm>> -> memref<1x12xf32, #tpu.memory_space<hbm>>
      %dma_start3A_57 = arith.constant 0 : i32
      %dma_start3A_58 = tpu.memref_slice %arg3[%squeeze3A_49, %dma_start3A_57] : memref<1000000x12xf32, #tpu.memory_space<hbm>> -> memref<1x12xf32, #tpu.memory_space<hbm>>
      tpu.enqueue_dma source(%dma_start3A_58 : memref<1x12xf32, #tpu.memory_space<hbm>>) target(%dma_start3A_56 : memref<1x12xf32, #tpu.memory_space<hbm>>) target_semaphore(%arg9 : memref<!tpu.dma_semaphore, #tpu.memory_space<semaphore_mem>>)
      %slice3A_59 = vector.extract_strided_slice %get3A_17 {offsets = [4], sizes = [1], strides = [1]} : vector<16xi32> to vector<1xi32>
      %squeeze3A_60 = vector.extract %slice3A_59[0] : i32 from vector<1xi32>
      %mul3A_61 = arith.constant 16 : i32
      %mul3A_62 = arith.muli %mul3A_61, %scan3A_14 : i32
      %add3A_63 = arith.addi %mul3A_2, %mul3A_62 : i32
      %add3A_64 = arith.constant 4 : i32
      %add3A_65 = arith.addi %add3A_63, %add3A_64 : i32
      %dma_start3A_66 = arith.constant 0 : i32
      %dma_start3A_67 = tpu.memref_slice %arg4[%add3A_65, %dma_start3A_66] : memref<16384x12xf32, #tpu.memory_space<hbm>> -> memref<1x12xf32, #tpu.memory_space<hbm>>
      %dma_start3A_68 = arith.constant 0 : i32
      %dma_start3A_69 = tpu.memref_slice %arg3[%squeeze3A_60, %dma_start3A_68] : memref<1000000x12xf32, #tpu.memory_space<hbm>> -> memref<1x12xf32, #tpu.memory_space<hbm>>
      tpu.enqueue_dma source(%dma_start3A_69 : memref<1x12xf32, #tpu.memory_space<hbm>>) target(%dma_start3A_67 : memref<1x12xf32, #tpu.memory_space<hbm>>) target_semaphore(%arg10 : memref<!tpu.dma_semaphore, #tpu.memory_space<semaphore_mem>>)
      %slice3A_70 = vector.extract_strided_slice %get3A_17 {offsets = [5], sizes = [1], strides = [1]} : vector<16xi32> to vector<1xi32>
      %squeeze3A_71 = vector.extract %slice3A_70[0] : i32 from vector<1xi32>
      %mul3A_72 = arith.constant 16 : i32
      %mul3A_73 = arith.muli %mul3A_72, %scan3A_14 : i32
      %add3A_74 = arith.addi %mul3A_2, %mul3A_73 : i32
      %add3A_75 = arith.constant 5 : i32
      %add3A_76 = arith.addi %add3A_74, %add3A_75 : i32
      %dma_start3A_77 = arith.constant 0 : i32
      %dma_start3A_78 = tpu.memref_slice %arg4[%add3A_76, %dma_start3A_77] : memref<16384x12xf32, #tpu.memory_space<hbm>> -> memref<1x12xf32, #tpu.memory_space<hbm>>
      %dma_start3A_79 = arith.constant 0 : i32
      %dma_start3A_80 = tpu.memref_slice %arg3[%squeeze3A_71, %dma_start3A_79] : memref<1000000x12xf32, #tpu.memory_space<hbm>> -> memref<1x12xf32, #tpu.memory_space<hbm>>
      tpu.enqueue_dma source(%dma_start3A_80 : memref<1x12xf32, #tpu.memory_space<hbm>>) target(%dma_start3A_78 : memref<1x12xf32, #tpu.memory_space<hbm>>) target_semaphore(%arg11 : memref<!tpu.dma_semaphore, #tpu.memory_space<semaphore_mem>>)
      %slice3A_81 = vector.extract_strided_slice %get3A_17 {offsets = [6], sizes = [1], strides = [1]} : vector<16xi32> to vector<1xi32>
      %squeeze3A_82 = vector.extract %slice3A_81[0] : i32 from vector<1xi32>
      %mul3A_83 = arith.constant 16 : i32
      %mul3A_84 = arith.muli %mul3A_83, %scan3A_14 : i32
      %add3A_85 = arith.addi %mul3A_2, %mul3A_84 : i32
      %add3A_86 = arith.constant 6 : i32
      %add3A_87 = arith.addi %add3A_85, %add3A_86 : i32
      %dma_start3A_88 = arith.constant 0 : i32
      %dma_start3A_89 = tpu.memref_slice %arg4[%add3A_87, %dma_start3A_88] : memref<16384x12xf32, #tpu.memory_space<hbm>> -> memref<1x12xf32, #tpu.memory_space<hbm>>
      %dma_start3A_90 = arith.constant 0 : i32
      %dma_start3A_91 = tpu.memref_slice %arg3[%squeeze3A_82, %dma_start3A_90] : memref<1000000x12xf32, #tpu.memory_space<hbm>> -> memref<1x12xf32, #tpu.memory_space<hbm>>
      tpu.enqueue_dma source(%dma_start3A_91 : memref<1x12xf32, #tpu.memory_space<hbm>>) target(%dma_start3A_89 : memref<1x12xf32, #tpu.memory_space<hbm>>) target_semaphore(%arg12 : memref<!tpu.dma_semaphore, #tpu.memory_space<semaphore_mem>>)
      %slice3A_92 = vector.extract_strided_slice %get3A_17 {offsets = [7], sizes = [1], strides = [1]} : vector<16xi32> to vector<1xi32>
      %squeeze3A_93 = vector.extract %slice3A_92[0] : i32 from vector<1xi32>
      %mul3A_94 = arith.constant 16 : i32
      %mul3A_95 = arith.muli %mul3A_94, %scan3A_14 : i32
      %add3A_96 = arith.addi %mul3A_2, %mul3A_95 : i32
      %add3A_97 = arith.constant 7 : i32
      %add3A_98 = arith.addi %add3A_96, %add3A_97 : i32
      %dma_start3A_99 = arith.constant 0 : i32
      %dma_start3A_100 = tpu.memref_slice %arg4[%add3A_98, %dma_start3A_99] : memref<16384x12xf32, #tpu.memory_space<hbm>> -> memref<1x12xf32, #tpu.memory_space<hbm>>
      %dma_start3A_101 = arith.constant 0 : i32
      %dma_start3A_102 = tpu.memref_slice %arg3[%squeeze3A_93, %dma_start3A_101] : memref<1000000x12xf32, #tpu.memory_space<hbm>> -> memref<1x12xf32, #tpu.memory_space<hbm>>
      tpu.enqueue_dma source(%dma_start3A_102 : memref<1x12xf32, #tpu.memory_space<hbm>>) target(%dma_start3A_100 : memref<1x12xf32, #tpu.memory_space<hbm>>) target_semaphore(%arg13 : memref<!tpu.dma_semaphore, #tpu.memory_space<semaphore_mem>>)
      %slice3A_103 = vector.extract_strided_slice %get3A_17 {offsets = [8], sizes = [1], strides = [1]} : vector<16xi32> to vector<1xi32>
      %squeeze3A_104 = vector.extract %slice3A_103[0] : i32 from vector<1xi32>
      %mul3A_105 = arith.constant 16 : i32
      %mul3A_106 = arith.muli %mul3A_105, %scan3A_14 : i32
      %add3A_107 = arith.addi %mul3A_2, %mul3A_106 : i32
      %add3A_108 = arith.constant 8 : i32
      %add3A_109 = arith.addi %add3A_107, %add3A_108 : i32
      %dma_start3A_110 = arith.constant 0 : i32
      %dma_start3A_111 = tpu.memref_slice %arg4[%add3A_109, %dma_start3A_110] : memref<16384x12xf32, #tpu.memory_space<hbm>> -> memref<1x12xf32, #tpu.memory_space<hbm>>
      %dma_start3A_112 = arith.constant 0 : i32
      %dma_start3A_113 = tpu.memref_slice %arg3[%squeeze3A_104, %dma_start3A_112] : memref<1000000x12xf32, #tpu.memory_space<hbm>> -> memref<1x12xf32, #tpu.memory_space<hbm>>
      tpu.enqueue_dma source(%dma_start3A_113 : memref<1x12xf32, #tpu.memory_space<hbm>>) target(%dma_start3A_111 : memref<1x12xf32, #tpu.memory_space<hbm>>) target_semaphore(%arg6 : memref<!tpu.dma_semaphore, #tpu.memory_space<semaphore_mem>>)
      %slice3A_114 = vector.extract_strided_slice %get3A_17 {offsets = [9], sizes = [1], strides = [1]} : vector<16xi32> to vector<1xi32>
      %squeeze3A_115 = vector.extract %slice3A_114[0] : i32 from vector<1xi32>
      %mul3A_116 = arith.constant 16 : i32
      %mul3A_117 = arith.muli %mul3A_116, %scan3A_14 : i32
      %add3A_118 = arith.addi %mul3A_2, %mul3A_117 : i32
      %add3A_119 = arith.constant 9 : i32
      %add3A_120 = arith.addi %add3A_118, %add3A_119 : i32
      %dma_start3A_121 = arith.constant 0 : i32
      %dma_start3A_122 = tpu.memref_slice %arg4[%add3A_120, %dma_start3A_121] : memref<16384x12xf32, #tpu.memory_space<hbm>> -> memref<1x12xf32, #tpu.memory_space<hbm>>
      %dma_start3A_123 = arith.constant 0 : i32
      %dma_start3A_124 = tpu.memref_slice %arg3[%squeeze3A_115, %dma_start3A_123] : memref<1000000x12xf32, #tpu.memory_space<hbm>> -> memref<1x12xf32, #tpu.memory_space<hbm>>
      tpu.enqueue_dma source(%dma_start3A_124 : memref<1x12xf32, #tpu.memory_space<hbm>>) target(%dma_start3A_122 : memref<1x12xf32, #tpu.memory_space<hbm>>) target_semaphore(%arg7 : memref<!tpu.dma_semaphore, #tpu.memory_space<semaphore_mem>>)
      %slice3A_125 = vector.extract_strided_slice %get3A_17 {offsets = [10], sizes = [1], strides = [1]} : vector<16xi32> to vector<1xi32>
      %squeeze3A_126 = vector.extract %slice3A_125[0] : i32 from vector<1xi32>
      %mul3A_127 = arith.constant 16 : i32
      %mul3A_128 = arith.muli %mul3A_127, %scan3A_14 : i32
      %add3A_129 = arith.addi %mul3A_2, %mul3A_128 : i32
      %add3A_130 = arith.constant 10 : i32
      %add3A_131 = arith.addi %add3A_129, %add3A_130 : i32
      %dma_start3A_132 = arith.constant 0 : i32
      %dma_start3A_133 = tpu.memref_slice %arg4[%add3A_131, %dma_start3A_132] : memref<16384x12xf32, #tpu.memory_space<hbm>> -> memref<1x12xf32, #tpu.memory_space<hbm>>
      %dma_start3A_134 = arith.constant 0 : i32
      %dma_start3A_135 = tpu.memref_slice %arg3[%squeeze3A_126, %dma_start3A_134] : memref<1000000x12xf32, #tpu.memory_space<hbm>> -> memref<1x12xf32, #tpu.memory_space<hbm>>
      tpu.enqueue_dma source(%dma_start3A_135 : memref<1x12xf32, #tpu.memory_space<hbm>>) target(%dma_start3A_133 : memref<1x12xf32, #tpu.memory_space<hbm>>) target_semaphore(%arg8 : memref<!tpu.dma_semaphore, #tpu.memory_space<semaphore_mem>>)
      %slice3A_136 = vector.extract_strided_slice %get3A_17 {offsets = [11], sizes = [1], strides = [1]} : vector<16xi32> to vector<1xi32>
      %squeeze3A_137 = vector.extract %slice3A_136[0] : i32 from vector<1xi32>
      %mul3A_138 = arith.constant 16 : i32
      %mul3A_139 = arith.muli %mul3A_138, %scan3A_14 : i32
      %add3A_140 = arith.addi %mul3A_2, %mul3A_139 : i32
      %add3A_141 = arith.constant 11 : i32
      %add3A_142 = arith.addi %add3A_140, %add3A_141 : i32
      %dma_start3A_143 = arith.constant 0 : i32
      %dma_start3A_144 = tpu.memref_slice %arg4[%add3A_142, %dma_start3A_143] : memref<16384x12xf32, #tpu.memory_space<hbm>> -> memref<1x12xf32, #tpu.memory_space<hbm>>
      %dma_start3A_145 = arith.constant 0 : i32
      %dma_start3A_146 = tpu.memref_slice %arg3[%squeeze3A_137, %dma_start3A_145] : memref<1000000x12xf32, #tpu.memory_space<hbm>> -> memref<1x12xf32, #tpu.memory_space<hbm>>
      tpu.enqueue_dma source(%dma_start3A_146 : memref<1x12xf32, #tpu.memory_space<hbm>>) target(%dma_start3A_144 : memref<1x12xf32, #tpu.memory_space<hbm>>) target_semaphore(%arg9 : memref<!tpu.dma_semaphore, #tpu.memory_space<semaphore_mem>>)
      %slice3A_147 = vector.extract_strided_slice %get3A_17 {offsets = [12], sizes = [1], strides = [1]} : vector<16xi32> to vector<1xi32>
      %squeeze3A_148 = vector.extract %slice3A_147[0] : i32 from vector<1xi32>
      %mul3A_149 = arith.constant 16 : i32
      %mul3A_150 = arith.muli %mul3A_149, %scan3A_14 : i32
      %add3A_151 = arith.addi %mul3A_2, %mul3A_150 : i32
      %add3A_152 = arith.constant 12 : i32
      %add3A_153 = arith.addi %add3A_151, %add3A_152 : i32
      %dma_start3A_154 = arith.constant 0 : i32
      %dma_start3A_155 = tpu.memref_slice %arg4[%add3A_153, %dma_start3A_154] : memref<16384x12xf32, #tpu.memory_space<hbm>> -> memref<1x12xf32, #tpu.memory_space<hbm>>
      %dma_start3A_156 = arith.constant 0 : i32
      %dma_start3A_157 = tpu.memref_slice %arg3[%squeeze3A_148, %dma_start3A_156] : memref<1000000x12xf32, #tpu.memory_space<hbm>> -> memref<1x12xf32, #tpu.memory_space<hbm>>
      tpu.enqueue_dma source(%dma_start3A_157 : memref<1x12xf32, #tpu.memory_space<hbm>>) target(%dma_start3A_155 : memref<1x12xf32, #tpu.memory_space<hbm>>) target_semaphore(%arg10 : memref<!tpu.dma_semaphore, #tpu.memory_space<semaphore_mem>>)
      %slice3A_158 = vector.extract_strided_slice %get3A_17 {offsets = [13], sizes = [1], strides = [1]} : vector<16xi32> to vector<1xi32>
      %squeeze3A_159 = vector.extract %slice3A_158[0] : i32 from vector<1xi32>
      %mul3A_160 = arith.constant 16 : i32
      %mul3A_161 = arith.muli %mul3A_160, %scan3A_14 : i32
      %add3A_162 = arith.addi %mul3A_2, %mul3A_161 : i32
      %add3A_163 = arith.constant 13 : i32
      %add3A_164 = arith.addi %add3A_162, %add3A_163 : i32
      %dma_start3A_165 = arith.constant 0 : i32
      %dma_start3A_166 = tpu.memref_slice %arg4[%add3A_164, %dma_start3A_165] : memref<16384x12xf32, #tpu.memory_space<hbm>> -> memref<1x12xf32, #tpu.memory_space<hbm>>
      %dma_start3A_167 = arith.constant 0 : i32
      %dma_start3A_168 = tpu.memref_slice %arg3[%squeeze3A_159, %dma_start3A_167] : memref<1000000x12xf32, #tpu.memory_space<hbm>> -> memref<1x12xf32, #tpu.memory_space<hbm>>
      tpu.enqueue_dma source(%dma_start3A_168 : memref<1x12xf32, #tpu.memory_space<hbm>>) target(%dma_start3A_166 : memref<1x12xf32, #tpu.memory_space<hbm>>) target_semaphore(%arg11 : memref<!tpu.dma_semaphore, #tpu.memory_space<semaphore_mem>>)
      %slice3A_169 = vector.extract_strided_slice %get3A_17 {offsets = [14], sizes = [1], strides = [1]} : vector<16xi32> to vector<1xi32>
      %squeeze3A_170 = vector.extract %slice3A_169[0] : i32 from vector<1xi32>
      %mul3A_171 = arith.constant 16 : i32
      %mul3A_172 = arith.muli %mul3A_171, %scan3A_14 : i32
      %add3A_173 = arith.addi %mul3A_2, %mul3A_172 : i32
      %add3A_174 = arith.constant 14 : i32
      %add3A_175 = arith.addi %add3A_173, %add3A_174 : i32
      %dma_start3A_176 = arith.constant 0 : i32
      %dma_start3A_177 = tpu.memref_slice %arg4[%add3A_175, %dma_start3A_176] : memref<16384x12xf32, #tpu.memory_space<hbm>> -> memref<1x12xf32, #tpu.memory_space<hbm>>
      %dma_start3A_178 = arith.constant 0 : i32
      %dma_start3A_179 = tpu.memref_slice %arg3[%squeeze3A_170, %dma_start3A_178] : memref<1000000x12xf32, #tpu.memory_space<hbm>> -> memref<1x12xf32, #tpu.memory_space<hbm>>
      tpu.enqueue_dma source(%dma_start3A_179 : memref<1x12xf32, #tpu.memory_space<hbm>>) target(%dma_start3A_177 : memref<1x12xf32, #tpu.memory_space<hbm>>) target_semaphore(%arg12 : memref<!tpu.dma_semaphore, #tpu.memory_space<semaphore_mem>>)
      %slice3A_180 = vector.extract_strided_slice %get3A_17 {offsets = [15], sizes = [1], strides = [1]} : vector<16xi32> to vector<1xi32>
      %squeeze3A_181 = vector.extract %slice3A_180[0] : i32 from vector<1xi32>
      %mul3A_182 = arith.constant 16 : i32
      %mul3A_183 = arith.muli %mul3A_182, %scan3A_14 : i32
      %add3A_184 = arith.addi %mul3A_2, %mul3A_183 : i32
      %add3A_185 = arith.constant 15 : i32
      %add3A_186 = arith.addi %add3A_184, %add3A_185 : i32
      %dma_start3A_187 = arith.constant 0 : i32
      %dma_start3A_188 = tpu.memref_slice %arg4[%add3A_186, %dma_start3A_187] : memref<16384x12xf32, #tpu.memory_space<hbm>> -> memref<1x12xf32, #tpu.memory_space<hbm>>
      %dma_start3A_189 = arith.constant 0 : i32
      %dma_start3A_190 = tpu.memref_slice %arg3[%squeeze3A_181, %dma_start3A_189] : memref<1000000x12xf32, #tpu.memory_space<hbm>> -> memref<1x12xf32, #tpu.memory_space<hbm>>
      tpu.enqueue_dma source(%dma_start3A_190 : memref<1x12xf32, #tpu.memory_space<hbm>>) target(%dma_start3A_188 : memref<1x12xf32, #tpu.memory_space<hbm>>) target_semaphore(%arg13 : memref<!tpu.dma_semaphore, #tpu.memory_space<semaphore_mem>>)
      %scan3A_191 = arith.constant 1 : i32
      %scan3A_192 = arith.addi %scan3A_14, %scan3A_191 : i32
      %mul3A_193 = arith.constant 16 : i32
      %mul3A_194 = arith.muli %mul3A_193, %scan3A_192 : i32
      %get3A_195 = arith.index_cast %mul3A_194 : i32 to index
      %get3A_196 = tpu.vector_load %arg5[%get3A_195] {strides = array<i32>} : memref<1024xi32, #tpu.memory_space<vmem>>, vector<16xi32>,
      %slice3A_197 = vector.extract_strided_slice %get3A_196 {offsets = [0], sizes = [1], strides = [1]} : vector<16xi32> to vector<1xi32>
      %squeeze3A_198 = vector.extract %slice3A_197[0] : i32 from vector<1xi32>
      %mul3A_199 = arith.constant 16 : i32
      %mul3A_200 = arith.muli %mul3A_199, %scan3A_192 : i32
      %add3A_201 = arith.addi %mul3A_2, %mul3A_200 : i32
      %add3A_202 = arith.constant 0 : i32
      %add3A_203 = arith.addi %add3A_201, %add3A_202 : i32
      %dma_start3A_204 = arith.constant 0 : i32
      %dma_start3A_205 = tpu.memref_slice %arg4[%add3A_203, %dma_start3A_204] : memref<16384x12xf32, #tpu.memory_space<hbm>> -> memref<1x12xf32, #tpu.memory_space<hbm>>
      %dma_start3A_206 = arith.constant 0 : i32
      %dma_start3A_207 = tpu.memref_slice %arg3[%squeeze3A_198, %dma_start3A_206] : memref<1000000x12xf32, #tpu.memory_space<hbm>> -> memref<1x12xf32, #tpu.memory_space<hbm>>
      tpu.enqueue_dma source(%dma_start3A_207 : memref<1x12xf32, #tpu.memory_space<hbm>>) target(%dma_start3A_205 : memref<1x12xf32, #tpu.memory_space<hbm>>) target_semaphore(%arg6 : memref<!tpu.dma_semaphore, #tpu.memory_space<semaphore_mem>>)
      %slice3A_208 = vector.extract_strided_slice %get3A_196 {offsets = [1], sizes = [1], strides = [1]} : vector<16xi32> to vector<1xi32>
      %squeeze3A_209 = vector.extract %slice3A_208[0] : i32 from vector<1xi32>
      %mul3A_210 = arith.constant 16 : i32
      %mul3A_211 = arith.muli %mul3A_210, %scan3A_192 : i32
      %add3A_212 = arith.addi %mul3A_2, %mul3A_211 : i32
      %add3A_213 = arith.constant 1 : i32
      %add3A_214 = arith.addi %add3A_212, %add3A_213 : i32
      %dma_start3A_215 = arith.constant 0 : i32
      %dma_start3A_216 = tpu.memref_slice %arg4[%add3A_214, %dma_start3A_215] : memref<16384x12xf32, #tpu.memory_space<hbm>> -> memref<1x12xf32, #tpu.memory_space<hbm>>
      %dma_start3A_217 = arith.constant 0 : i32
      %dma_start3A_218 = tpu.memref_slice %arg3[%squeeze3A_209, %dma_start3A_217] : memref<1000000x12xf32, #tpu.memory_space<hbm>> -> memref<1x12xf32, #tpu.memory_space<hbm>>
      tpu.enqueue_dma source(%dma_start3A_218 : memref<1x12xf32, #tpu.memory_space<hbm>>) target(%dma_start3A_216 : memref<1x12xf32, #tpu.memory_space<hbm>>) target_semaphore(%arg7 : memref<!tpu.dma_semaphore, #tpu.memory_space<semaphore_mem>>)
      %slice3A_219 = vector.extract_strided_slice %get3A_196 {offsets = [2], sizes = [1], strides = [1]} : vector<16xi32> to vector<1xi32>
      %squeeze3A_220 = vector.extract %slice3A_219[0] : i32 from vector<1xi32>
      %mul3A_221 = arith.constant 16 : i32
      %mul3A_222 = arith.muli %mul3A_221, %scan3A_192 : i32
      %add3A_223 = arith.addi %mul3A_2, %mul3A_222 : i32
      %add3A_224 = arith.constant 2 : i32
      %add3A_225 = arith.addi %add3A_223, %add3A_224 : i32
      %dma_start3A_226 = arith.constant 0 : i32
      %dma_start3A_227 = tpu.memref_slice %arg4[%add3A_225, %dma_start3A_226] : memref<16384x12xf32, #tpu.memory_space<hbm>> -> memref<1x12xf32, #tpu.memory_space<hbm>>
      %dma_start3A_228 = arith.constant 0 : i32
      %dma_start3A_229 = tpu.memref_slice %arg3[%squeeze3A_220, %dma_start3A_228] : memref<1000000x12xf32, #tpu.memory_space<hbm>> -> memref<1x12xf32, #tpu.memory_space<hbm>>
      tpu.enqueue_dma source(%dma_start3A_229 : memref<1x12xf32, #tpu.memory_space<hbm>>) target(%dma_start3A_227 : memref<1x12xf32, #tpu.memory_space<hbm>>) target_semaphore(%arg8 : memref<!tpu.dma_semaphore, #tpu.memory_space<semaphore_mem>>)
      %slice3A_230 = vector.extract_strided_slice %get3A_196 {offsets = [3], sizes = [1], strides = [1]} : vector<16xi32> to vector<1xi32>
      %squeeze3A_231 = vector.extract %slice3A_230[0] : i32 from vector<1xi32>
      %mul3A_232 = arith.constant 16 : i32
      %mul3A_233 = arith.muli %mul3A_232, %scan3A_192 : i32
      %add3A_234 = arith.addi %mul3A_2, %mul3A_233 : i32
      %add3A_235 = arith.constant 3 : i32
      %add3A_236 = arith.addi %add3A_234, %add3A_235 : i32
      %dma_start3A_237 = arith.constant 0 : i32
      %dma_start3A_238 = tpu.memref_slice %arg4[%add3A_236, %dma_start3A_237] : memref<16384x12xf32, #tpu.memory_space<hbm>> -> memref<1x12xf32, #tpu.memory_space<hbm>>
      %dma_start3A_239 = arith.constant 0 : i32
      %dma_start3A_240 = tpu.memref_slice %arg3[%squeeze3A_231, %dma_start3A_239] : memref<1000000x12xf32, #tpu.memory_space<hbm>> -> memref<1x12xf32, #tpu.memory_space<hbm>>
      tpu.enqueue_dma source(%dma_start3A_240 : memref<1x12xf32, #tpu.memory_space<hbm>>) target(%dma_start3A_238 : memref<1x12xf32, #tpu.memory_space<hbm>>) target_semaphore(%arg9 : memref<!tpu.dma_semaphore, #tpu.memory_space<semaphore_mem>>)
      %slice3A_241 = vector.extract_strided_slice %get3A_196 {offsets = [4], sizes = [1], strides = [1]} : vector<16xi32> to vector<1xi32>
      %squeeze3A_242 = vector.extract %slice3A_241[0] : i32 from vector<1xi32>
      %mul3A_243 = arith.constant 16 : i32
      %mul3A_244 = arith.muli %mul3A_243, %scan3A_192 : i32
      %add3A_245 = arith.addi %mul3A_2, %mul3A_244 : i32
      %add3A_246 = arith.constant 4 : i32
      %add3A_247 = arith.addi %add3A_245, %add3A_246 : i32
      %dma_start3A_248 = arith.constant 0 : i32
      %dma_start3A_249 = tpu.memref_slice %arg4[%add3A_247, %dma_start3A_248] : memref<16384x12xf32, #tpu.memory_space<hbm>> -> memref<1x12xf32, #tpu.memory_space<hbm>>
      %dma_start3A_250 = arith.constant 0 : i32
      %dma_start3A_251 = tpu.memref_slice %arg3[%squeeze3A_242, %dma_start3A_250] : memref<1000000x12xf32, #tpu.memory_space<hbm>> -> memref<1x12xf32, #tpu.memory_space<hbm>>
      tpu.enqueue_dma source(%dma_start3A_251 : memref<1x12xf32, #tpu.memory_space<hbm>>) target(%dma_start3A_249 : memref<1x12xf32, #tpu.memory_space<hbm>>) target_semaphore(%arg10 : memref<!tpu.dma_semaphore, #tpu.memory_space<semaphore_mem>>)
      %slice3A_252 = vector.extract_strided_slice %get3A_196 {offsets = [5], sizes = [1], strides = [1]} : vector<16xi32> to vector<1xi32>
      %squeeze3A_253 = vector.extract %slice3A_252[0] : i32 from vector<1xi32>
      %mul3A_254 = arith.constant 16 : i32
      %mul3A_255 = arith.muli %mul3A_254, %scan3A_192 : i32
      %add3A_256 = arith.addi %mul3A_2, %mul3A_255 : i32
      %add3A_257 = arith.constant 5 : i32
      %add3A_258 = arith.addi %add3A_256, %add3A_257 : i32
      %dma_start3A_259 = arith.constant 0 : i32
      %dma_start3A_260 = tpu.memref_slice %arg4[%add3A_258, %dma_start3A_259] : memref<16384x12xf32, #tpu.memory_space<hbm>> -> memref<1x12xf32, #tpu.memory_space<hbm>>
      %dma_start3A_261 = arith.constant 0 : i32
      %dma_start3A_262 = tpu.memref_slice %arg3[%squeeze3A_253, %dma_start3A_261] : memref<1000000x12xf32, #tpu.memory_space<hbm>> -> memref<1x12xf32, #tpu.memory_space<hbm>>
      tpu.enqueue_dma source(%dma_start3A_262 : memref<1x12xf32, #tpu.memory_space<hbm>>) target(%dma_start3A_260 : memref<1x12xf32, #tpu.memory_space<hbm>>) target_semaphore(%arg11 : memref<!tpu.dma_semaphore, #tpu.memory_space<semaphore_mem>>)
      %slice3A_263 = vector.extract_strided_slice %get3A_196 {offsets = [6], sizes = [1], strides = [1]} : vector<16xi32> to vector<1xi32>
      %squeeze3A_264 = vector.extract %slice3A_263[0] : i32 from vector<1xi32>
      %mul3A_265 = arith.constant 16 : i32
      %mul3A_266 = arith.muli %mul3A_265, %scan3A_192 : i32
      %add3A_267 = arith.addi %mul3A_2, %mul3A_266 : i32
      %add3A_268 = arith.constant 6 : i32
      %add3A_269 = arith.addi %add3A_267, %add3A_268 : i32
      %dma_start3A_270 = arith.constant 0 : i32
      %dma_start3A_271 = tpu.memref_slice %arg4[%add3A_269, %dma_start3A_270] : memref<16384x12xf32, #tpu.memory_space<hbm>> -> memref<1x12xf32, #tpu.memory_space<hbm>>
      %dma_start3A_272 = arith.constant 0 : i32
      %dma_start3A_273 = tpu.memref_slice %arg3[%squeeze3A_264, %dma_start3A_272] : memref<1000000x12xf32, #tpu.memory_space<hbm>> -> memref<1x12xf32, #tpu.memory_space<hbm>>
      tpu.enqueue_dma source(%dma_start3A_273 : memref<1x12xf32, #tpu.memory_space<hbm>>) target(%dma_start3A_271 : memref<1x12xf32, #tpu.memory_space<hbm>>) target_semaphore(%arg12 : memref<!tpu.dma_semaphore, #tpu.memory_space<semaphore_mem>>)
      %slice3A_274 = vector.extract_strided_slice %get3A_196 {offsets = [7], sizes = [1], strides = [1]} : vector<16xi32> to vector<1xi32>
      %squeeze3A_275 = vector.extract %slice3A_274[0] : i32 from vector<1xi32>
      %mul3A_276 = arith.constant 16 : i32
      %mul3A_277 = arith.muli %mul3A_276, %scan3A_192 : i32
      %add3A_278 = arith.addi %mul3A_2, %mul3A_277 : i32
      %add3A_279 = arith.constant 7 : i32
      %add3A_280 = arith.addi %add3A_278, %add3A_279 : i32
      %dma_start3A_281 = arith.constant 0 : i32
      %dma_start3A_282 = tpu.memref_slice %arg4[%add3A_280, %dma_start3A_281] : memref<16384x12xf32, #tpu.memory_space<hbm>> -> memref<1x12xf32, #tpu.memory_space<hbm>>
      %dma_start3A_283 = arith.constant 0 : i32
      %dma_start3A_284 = tpu.memref_slice %arg3[%squeeze3A_275, %dma_start3A_283] : memref<1000000x12xf32, #tpu.memory_space<hbm>> -> memref<1x12xf32, #tpu.memory_space<hbm>>
      tpu.enqueue_dma source(%dma_start3A_284 : memref<1x12xf32, #tpu.memory_space<hbm>>) target(%dma_start3A_282 : memref<1x12xf32, #tpu.memory_space<hbm>>) target_semaphore(%arg13 : memref<!tpu.dma_semaphore, #tpu.memory_space<semaphore_mem>>)
      %slice3A_285 = vector.extract_strided_slice %get3A_196 {offsets = [8], sizes = [1], strides = [1]} : vector<16xi32> to vector<1xi32>
      %squeeze3A_286 = vector.extract %slice3A_285[0] : i32 from vector<1xi32>
      %mul3A_287 = arith.constant 16 : i32
      %mul3A_288 = arith.muli %mul3A_287, %scan3A_192 : i32
      %add3A_289 = arith.addi %mul3A_2, %mul3A_288 : i32
      %add3A_290 = arith.constant 8 : i32
      %add3A_291 = arith.addi %add3A_289, %add3A_290 : i32
      %dma_start3A_292 = arith.constant 0 : i32
      %dma_start3A_293 = tpu.memref_slice %arg4[%add3A_291, %dma_start3A_292] : memref<16384x12xf32, #tpu.memory_space<hbm>> -> memref<1x12xf32, #tpu.memory_space<hbm>>
      %dma_start3A_294 = arith.constant 0 : i32
      %dma_start3A_295 = tpu.memref_slice %arg3[%squeeze3A_286, %dma_start3A_294] : memref<1000000x12xf32, #tpu.memory_space<hbm>> -> memref<1x12xf32, #tpu.memory_space<hbm>>
      tpu.enqueue_dma source(%dma_start3A_295 : memref<1x12xf32, #tpu.memory_space<hbm>>) target(%dma_start3A_293 : memref<1x12xf32, #tpu.memory_space<hbm>>) target_semaphore(%arg6 : memref<!tpu.dma_semaphore, #tpu.memory_space<semaphore_mem>>)
      %slice3A_296 = vector.extract_strided_slice %get3A_196 {offsets = [9], sizes = [1], strides = [1]} : vector<16xi32> to vector<1xi32>
      %squeeze3A_297 = vector.extract %slice3A_296[0] : i32 from vector<1xi32>
      %mul3A_298 = arith.constant 16 : i32
      %mul3A_299 = arith.muli %mul3A_298, %scan3A_192 : i32
      %add3A_300 = arith.addi %mul3A_2, %mul3A_299 : i32
      %add3A_301 = arith.constant 9 : i32
      %add3A_302 = arith.addi %add3A_300, %add3A_301 : i32
      %dma_start3A_303 = arith.constant 0 : i32
      %dma_start3A_304 = tpu.memref_slice %arg4[%add3A_302, %dma_start3A_303] : memref<16384x12xf32, #tpu.memory_space<hbm>> -> memref<1x12xf32, #tpu.memory_space<hbm>>
      %dma_start3A_305 = arith.constant 0 : i32
      %dma_start3A_306 = tpu.memref_slice %arg3[%squeeze3A_297, %dma_start3A_305] : memref<1000000x12xf32, #tpu.memory_space<hbm>> -> memref<1x12xf32, #tpu.memory_space<hbm>>
      tpu.enqueue_dma source(%dma_start3A_306 : memref<1x12xf32, #tpu.memory_space<hbm>>) target(%dma_start3A_304 : memref<1x12xf32, #tpu.memory_space<hbm>>) target_semaphore(%arg7 : memref<!tpu.dma_semaphore, #tpu.memory_space<semaphore_mem>>)
      %slice3A_307 = vector.extract_strided_slice %get3A_196 {offsets = [10], sizes = [1], strides = [1]} : vector<16xi32> to vector<1xi32>
      %squeeze3A_308 = vector.extract %slice3A_307[0] : i32 from vector<1xi32>
      %mul3A_309 = arith.constant 16 : i32
      %mul3A_310 = arith.muli %mul3A_309, %scan3A_192 : i32
      %add3A_311 = arith.addi %mul3A_2, %mul3A_310 : i32
      %add3A_312 = arith.constant 10 : i32
      %add3A_313 = arith.addi %add3A_311, %add3A_312 : i32
      %dma_start3A_314 = arith.constant 0 : i32
      %dma_start3A_315 = tpu.memref_slice %arg4[%add3A_313, %dma_start3A_314] : memref<16384x12xf32, #tpu.memory_space<hbm>> -> memref<1x12xf32, #tpu.memory_space<hbm>>
      %dma_start3A_316 = arith.constant 0 : i32
      %dma_start3A_317 = tpu.memref_slice %arg3[%squeeze3A_308, %dma_start3A_316] : memref<1000000x12xf32, #tpu.memory_space<hbm>> -> memref<1x12xf32, #tpu.memory_space<hbm>>
      tpu.enqueue_dma source(%dma_start3A_317 : memref<1x12xf32, #tpu.memory_space<hbm>>) target(%dma_start3A_315 : memref<1x12xf32, #tpu.memory_space<hbm>>) target_semaphore(%arg8 : memref<!tpu.dma_semaphore, #tpu.memory_space<semaphore_mem>>)
      %slice3A_318 = vector.extract_strided_slice %get3A_196 {offsets = [11], sizes = [1], strides = [1]} : vector<16xi32> to vector<1xi32>
      %squeeze3A_319 = vector.extract %slice3A_318[0] : i32 from vector<1xi32>
      %mul3A_320 = arith.constant 16 : i32
      %mul3A_321 = arith.muli %mul3A_320, %scan3A_192 : i32
      %add3A_322 = arith.addi %mul3A_2, %mul3A_321 : i32
      %add3A_323 = arith.constant 11 : i32
      %add3A_324 = arith.addi %add3A_322, %add3A_323 : i32
      %dma_start3A_325 = arith.constant 0 : i32
      %dma_start3A_326 = tpu.memref_slice %arg4[%add3A_324, %dma_start3A_325] : memref<16384x12xf32, #tpu.memory_space<hbm>> -> memref<1x12xf32, #tpu.memory_space<hbm>>
      %dma_start3A_327 = arith.constant 0 : i32
      %dma_start3A_328 = tpu.memref_slice %arg3[%squeeze3A_319, %dma_start3A_327] : memref<1000000x12xf32, #tpu.memory_space<hbm>> -> memref<1x12xf32, #tpu.memory_space<hbm>>
      tpu.enqueue_dma source(%dma_start3A_328 : memref<1x12xf32, #tpu.memory_space<hbm>>) target(%dma_start3A_326 : memref<1x12xf32, #tpu.memory_space<hbm>>) target_semaphore(%arg9 : memref<!tpu.dma_semaphore, #tpu.memory_space<semaphore_mem>>)
      %slice3A_329 = vector.extract_strided_slice %get3A_196 {offsets = [12], sizes = [1], strides = [1]} : vector<16xi32> to vector<1xi32>
      %squeeze3A_330 = vector.extract %slice3A_329[0] : i32 from vector<1xi32>
      %mul3A_331 = arith.constant 16 : i32
      %mul3A_332 = arith.muli %mul3A_331, %scan3A_192 : i32
      %add3A_333 = arith.addi %mul3A_2, %mul3A_332 : i32
      %add3A_334 = arith.constant 12 : i32
      %add3A_335 = arith.addi %add3A_333, %add3A_334 : i32
      %dma_start3A_336 = arith.constant 0 : i32
      %dma_start3A_337 = tpu.memref_slice %arg4[%add3A_335, %dma_start3A_336] : memref<16384x12xf32, #tpu.memory_space<hbm>> -> memref<1x12xf32, #tpu.memory_space<hbm>>
      %dma_start3A_338 = arith.constant 0 : i32
      %dma_start3A_339 = tpu.memref_slice %arg3[%squeeze3A_330, %dma_start3A_338] : memref<1000000x12xf32, #tpu.memory_space<hbm>> -> memref<1x12xf32, #tpu.memory_space<hbm>>
      tpu.enqueue_dma source(%dma_start3A_339 : memref<1x12xf32, #tpu.memory_space<hbm>>) target(%dma_start3A_337 : memref<1x12xf32, #tpu.memory_space<hbm>>) target_semaphore(%arg10 : memref<!tpu.dma_semaphore, #tpu.memory_space<semaphore_mem>>)
      %slice3A_340 = vector.extract_strided_slice %get3A_196 {offsets = [13], sizes = [1], strides = [1]} : vector<16xi32> to vector<1xi32>
      %squeeze3A_341 = vector.extract %slice3A_340[0] : i32 from vector<1xi32>
      %mul3A_342 = arith.constant 16 : i32
      %mul3A_343 = arith.muli %mul3A_342, %scan3A_192 : i32
      %add3A_344 = arith.addi %mul3A_2, %mul3A_343 : i32
      %add3A_345 = arith.constant 13 : i32
      %add3A_346 = arith.addi %add3A_344, %add3A_345 : i32
      %dma_start3A_347 = arith.constant 0 : i32
      %dma_start3A_348 = tpu.memref_slice %arg4[%add3A_346, %dma_start3A_347] : memref<16384x12xf32, #tpu.memory_space<hbm>> -> memref<1x12xf32, #tpu.memory_space<hbm>>
      %dma_start3A_349 = arith.constant 0 : i32
      %dma_start3A_350 = tpu.memref_slice %arg3[%squeeze3A_341, %dma_start3A_349] : memref<1000000x12xf32, #tpu.memory_space<hbm>> -> memref<1x12xf32, #tpu.memory_space<hbm>>
      tpu.enqueue_dma source(%dma_start3A_350 : memref<1x12xf32, #tpu.memory_space<hbm>>) target(%dma_start3A_348 : memref<1x12xf32, #tpu.memory_space<hbm>>) target_semaphore(%arg11 : memref<!tpu.dma_semaphore, #tpu.memory_space<semaphore_mem>>)
      %slice3A_351 = vector.extract_strided_slice %get3A_196 {offsets = [14], sizes = [1], strides = [1]} : vector<16xi32> to vector<1xi32>
      %squeeze3A_352 = vector.extract %slice3A_351[0] : i32 from vector<1xi32>
      %mul3A_353 = arith.constant 16 : i32
      %mul3A_354 = arith.muli %mul3A_353, %scan3A_192 : i32
      %add3A_355 = arith.addi %mul3A_2, %mul3A_354 : i32
      %add3A_356 = arith.constant 14 : i32
      %add3A_357 = arith.addi %add3A_355, %add3A_356 : i32
      %dma_start3A_358 = arith.constant 0 : i32
      %dma_start3A_359 = tpu.memref_slice %arg4[%add3A_357, %dma_start3A_358] : memref<16384x12xf32, #tpu.memory_space<hbm>> -> memref<1x12xf32, #tpu.memory_space<hbm>>
      %dma_start3A_360 = arith.constant 0 : i32
      %dma_start3A_361 = tpu.memref_slice %arg3[%squeeze3A_352, %dma_start3A_360] : memref<1000000x12xf32, #tpu.memory_space<hbm>> -> memref<1x12xf32, #tpu.memory_space<hbm>>
      tpu.enqueue_dma source(%dma_start3A_361 : memref<1x12xf32, #tpu.memory_space<hbm>>) target(%dma_start3A_359 : memref<1x12xf32, #tpu.memory_space<hbm>>) target_semaphore(%arg12 : memref<!tpu.dma_semaphore, #tpu.memory_space<semaphore_mem>>)
      %slice3A_362 = vector.extract_strided_slice %get3A_196 {offsets = [15], sizes = [1], strides = [1]} : vector<16xi32> to vector<1xi32>
      %squeeze3A_363 = vector.extract %slice3A_362[0] : i32 from vector<1xi32>
      %mul3A_364 = arith.constant 16 : i32
      %mul3A_365 = arith.muli %mul3A_364, %scan3A_192 : i32
      %add3A_366 = arith.addi %mul3A_2, %mul3A_365 : i32
      %add3A_367 = arith.constant 15 : i32
      %add3A_368 = arith.addi %add3A_366, %add3A_367 : i32
      %dma_start3A_369 = arith.constant 0 : i32
      %dma_start3A_370 = tpu.memref_slice %arg4[%add3A_368, %dma_start3A_369] : memref<16384x12xf32, #tpu.memory_space<hbm>> -> memref<1x12xf32, #tpu.memory_space<hbm>>
      %dma_start3A_371 = arith.constant 0 : i32
      %dma_start3A_372 = tpu.memref_slice %arg3[%squeeze3A_363, %dma_start3A_371] : memref<1000000x12xf32, #tpu.memory_space<hbm>> -> memref<1x12xf32, #tpu.memory_space<hbm>>
      tpu.enqueue_dma source(%dma_start3A_372 : memref<1x12xf32, #tpu.memory_space<hbm>>) target(%dma_start3A_370 : memref<1x12xf32, #tpu.memory_space<hbm>>) target_semaphore(%arg13 : memref<!tpu.dma_semaphore, #tpu.memory_space<semaphore_mem>>)
    }
    %scan3A_7 = arith.constant 64 : i32
    %scan3A_8 = arith.constant 0 : i32
    %scan3A_9 = arith.constant 0 : i32
    %scan3A_10 = arith.constant 128 : i32
    %scan3A_11 = arith.addi %scan3A_9, %scan3A_10 : i32
    %scan3A_12 = arith.constant 4 : i32
    scf.for %scan3A_14 = %scan3A_9 to %scan3A_11 step %scan3A_12  : i32 {
      %dma_wait3A = arith.constant 0 : i32
      %dma_wait3A_15 = tpu.memref_slice %arg4[%mul3A_2, %dma_wait3A] : memref<16384x12xf32, #tpu.memory_space<hbm>> -> memref<1x12xf32, #tpu.memory_space<hbm>>
      %dma_wait3A_16 = arith.constant 0 : i32
      %dma_wait3A_17 = arith.constant 0 : i32
      %dma_wait3A_18 = tpu.memref_slice %arg3[%dma_wait3A_16, %dma_wait3A_17] : memref<1000000x12xf32, #tpu.memory_space<hbm>> -> memref<1x12xf32, #tpu.memory_space<hbm>>
      tpu.wait_dma2 semaphore(%arg6 : memref<!tpu.dma_semaphore, #tpu.memory_space<semaphore_mem>>) src(%dma_wait3A_18 : memref<1x12xf32, #tpu.memory_space<hbm>>) dst(%dma_wait3A_15 : memref<1x12xf32, #tpu.memory_space<hbm>>)
      %dma_wait3A_19 = arith.constant 0 : i32
      %dma_wait3A_20 = tpu.memref_slice %arg4[%mul3A_2, %dma_wait3A_19] : memref<16384x12xf32, #tpu.memory_space<hbm>> -> memref<1x12xf32, #tpu.memory_space<hbm>>
      %dma_wait3A_21 = arith.constant 0 : i32
      %dma_wait3A_22 = arith.constant 0 : i32
      %dma_wait3A_23 = tpu.memref_slice %arg3[%dma_wait3A_21, %dma_wait3A_22] : memref<1000000x12xf32, #tpu.memory_space<hbm>> -> memref<1x12xf32, #tpu.memory_space<hbm>>
      tpu.wait_dma2 semaphore(%arg7 : memref<!tpu.dma_semaphore, #tpu.memory_space<semaphore_mem>>) src(%dma_wait3A_23 : memref<1x12xf32, #tpu.memory_space<hbm>>) dst(%dma_wait3A_20 : memref<1x12xf32, #tpu.memory_space<hbm>>)
      %dma_wait3A_24 = arith.constant 0 : i32
      %dma_wait3A_25 = tpu.memref_slice %arg4[%mul3A_2, %dma_wait3A_24] : memref<16384x12xf32, #tpu.memory_space<hbm>> -> memref<1x12xf32, #tpu.memory_space<hbm>>
      %dma_wait3A_26 = arith.constant 0 : i32
      %dma_wait3A_27 = arith.constant 0 : i32
      %dma_wait3A_28 = tpu.memref_slice %arg3[%dma_wait3A_26, %dma_wait3A_27] : memref<1000000x12xf32, #tpu.memory_space<hbm>> -> memref<1x12xf32, #tpu.memory_space<hbm>>
      tpu.wait_dma2 semaphore(%arg8 : memref<!tpu.dma_semaphore, #tpu.memory_space<semaphore_mem>>) src(%dma_wait3A_28 : memref<1x12xf32, #tpu.memory_space<hbm>>) dst(%dma_wait3A_25 : memref<1x12xf32, #tpu.memory_space<hbm>>)
      %dma_wait3A_29 = arith.constant 0 : i32
      %dma_wait3A_30 = tpu.memref_slice %arg4[%mul3A_2, %dma_wait3A_29] : memref<16384x12xf32, #tpu.memory_space<hbm>> -> memref<1x12xf32, #tpu.memory_space<hbm>>
      %dma_wait3A_31 = arith.constant 0 : i32
      %dma_wait3A_32 = arith.constant 0 : i32
      %dma_wait3A_33 = tpu.memref_slice %arg3[%dma_wait3A_31, %dma_wait3A_32] : memref<1000000x12xf32, #tpu.memory_space<hbm>> -> memref<1x12xf32, #tpu.memory_space<hbm>>
      tpu.wait_dma2 semaphore(%arg9 : memref<!tpu.dma_semaphore, #tpu.memory_space<semaphore_mem>>) src(%dma_wait3A_33 : memref<1x12xf32, #tpu.memory_space<hbm>>) dst(%dma_wait3A_30 : memref<1x12xf32, #tpu.memory_space<hbm>>)
      %dma_wait3A_34 = arith.constant 0 : i32
      %dma_wait3A_35 = tpu.memref_slice %arg4[%mul3A_2, %dma_wait3A_34] : memref<16384x12xf32, #tpu.memory_space<hbm>> -> memref<1x12xf32, #tpu.memory_space<hbm>>
      %dma_wait3A_36 = arith.constant 0 : i32
      %dma_wait3A_37 = arith.constant 0 : i32
      %dma_wait3A_38 = tpu.memref_slice %arg3[%dma_wait3A_36, %dma_wait3A_37] : memref<1000000x12xf32, #tpu.memory_space<hbm>> -> memref<1x12xf32, #tpu.memory_space<hbm>>
      tpu.wait_dma2 semaphore(%arg10 : memref<!tpu.dma_semaphore, #tpu.memory_space<semaphore_mem>>) src(%dma_wait3A_38 : memref<1x12xf32, #tpu.memory_space<hbm>>) dst(%dma_wait3A_35 : memref<1x12xf32, #tpu.memory_space<hbm>>)
      %dma_wait3A_39 = arith.constant 0 : i32
      %dma_wait3A_40 = tpu.memref_slice %arg4[%mul3A_2, %dma_wait3A_39] : memref<16384x12xf32, #tpu.memory_space<hbm>> -> memref<1x12xf32, #tpu.memory_space<hbm>>
      %dma_wait3A_41 = arith.constant 0 : i32
      %dma_wait3A_42 = arith.constant 0 : i32
      %dma_wait3A_43 = tpu.memref_slice %arg3[%dma_wait3A_41, %dma_wait3A_42] : memref<1000000x12xf32, #tpu.memory_space<hbm>> -> memref<1x12xf32, #tpu.memory_space<hbm>>
      tpu.wait_dma2 semaphore(%arg11 : memref<!tpu.dma_semaphore, #tpu.memory_space<semaphore_mem>>) src(%dma_wait3A_43 : memref<1x12xf32, #tpu.memory_space<hbm>>) dst(%dma_wait3A_40 : memref<1x12xf32, #tpu.memory_space<hbm>>)
      %dma_wait3A_44 = arith.constant 0 : i32
      %dma_wait3A_45 = tpu.memref_slice %arg4[%mul3A_2, %dma_wait3A_44] : memref<16384x12xf32, #tpu.memory_space<hbm>> -> memref<1x12xf32, #tpu.memory_space<hbm>>
      %dma_wait3A_46 = arith.constant 0 : i32
      %dma_wait3A_47 = arith.constant 0 : i32
      %dma_wait3A_48 = tpu.memref_slice %arg3[%dma_wait3A_46, %dma_wait3A_47] : memref<1000000x12xf32, #tpu.memory_space<hbm>> -> memref<1x12xf32, #tpu.memory_space<hbm>>
      tpu.wait_dma2 semaphore(%arg12 : memref<!tpu.dma_semaphore, #tpu.memory_space<semaphore_mem>>) src(%dma_wait3A_48 : memref<1x12xf32, #tpu.memory_space<hbm>>) dst(%dma_wait3A_45 : memref<1x12xf32, #tpu.memory_space<hbm>>)
      %dma_wait3A_49 = arith.constant 0 : i32
      %dma_wait3A_50 = tpu.memref_slice %arg4[%mul3A_2, %dma_wait3A_49] : memref<16384x12xf32, #tpu.memory_space<hbm>> -> memref<1x12xf32, #tpu.memory_space<hbm>>
      %dma_wait3A_51 = arith.constant 0 : i32
      %dma_wait3A_52 = arith.constant 0 : i32
      %dma_wait3A_53 = tpu.memref_slice %arg3[%dma_wait3A_51, %dma_wait3A_52] : memref<1000000x12xf32, #tpu.memory_space<hbm>> -> memref<1x12xf32, #tpu.memory_space<hbm>>
      tpu.wait_dma2 semaphore(%arg13 : memref<!tpu.dma_semaphore, #tpu.memory_space<semaphore_mem>>) src(%dma_wait3A_53 : memref<1x12xf32, #tpu.memory_space<hbm>>) dst(%dma_wait3A_50 : memref<1x12xf32, #tpu.memory_space<hbm>>)
      %scan3A_54 = arith.constant 1 : i32
      %scan3A_55 = arith.addi %scan3A_14, %scan3A_54 : i32
      %dma_wait3A_56 = arith.constant 0 : i32
      %dma_wait3A_57 = tpu.memref_slice %arg4[%mul3A_2, %dma_wait3A_56] : memref<16384x12xf32, #tpu.memory_space<hbm>> -> memref<1x12xf32, #tpu.memory_space<hbm>>
      %dma_wait3A_58 = arith.constant 0 : i32
      %dma_wait3A_59 = arith.constant 0 : i32
      %dma_wait3A_60 = tpu.memref_slice %arg3[%dma_wait3A_58, %dma_wait3A_59] : memref<1000000x12xf32, #tpu.memory_space<hbm>> -> memref<1x12xf32, #tpu.memory_space<hbm>>
      tpu.wait_dma2 semaphore(%arg6 : memref<!tpu.dma_semaphore, #tpu.memory_space<semaphore_mem>>) src(%dma_wait3A_60 : memref<1x12xf32, #tpu.memory_space<hbm>>) dst(%dma_wait3A_57 : memref<1x12xf32, #tpu.memory_space<hbm>>)
      %dma_wait3A_61 = arith.constant 0 : i32
      %dma_wait3A_62 = tpu.memref_slice %arg4[%mul3A_2, %dma_wait3A_61] : memref<16384x12xf32, #tpu.memory_space<hbm>> -> memref<1x12xf32, #tpu.memory_space<hbm>>
      %dma_wait3A_63 = arith.constant 0 : i32
      %dma_wait3A_64 = arith.constant 0 : i32
      %dma_wait3A_65 = tpu.memref_slice %arg3[%dma_wait3A_63, %dma_wait3A_64] : memref<1000000x12xf32, #tpu.memory_space<hbm>> -> memref<1x12xf32, #tpu.memory_space<hbm>>
      tpu.wait_dma2 semaphore(%arg7 : memref<!tpu.dma_semaphore, #tpu.memory_space<semaphore_mem>>) src(%dma_wait3A_65 : memref<1x12xf32, #tpu.memory_space<hbm>>) dst(%dma_wait3A_62 : memref<1x12xf32, #tpu.memory_space<hbm>>)
      %dma_wait3A_66 = arith.constant 0 : i32
      %dma_wait3A_67 = tpu.memref_slice %arg4[%mul3A_2, %dma_wait3A_66] : memref<16384x12xf32, #tpu.memory_space<hbm>> -> memref<1x12xf32, #tpu.memory_space<hbm>>
      %dma_wait3A_68 = arith.constant 0 : i32
      %dma_wait3A_69 = arith.constant 0 : i32
      %dma_wait3A_70 = tpu.memref_slice %arg3[%dma_wait3A_68, %dma_wait3A_69] : memref<1000000x12xf32, #tpu.memory_space<hbm>> -> memref<1x12xf32, #tpu.memory_space<hbm>>
      tpu.wait_dma2 semaphore(%arg8 : memref<!tpu.dma_semaphore, #tpu.memory_space<semaphore_mem>>) src(%dma_wait3A_70 : memref<1x12xf32, #tpu.memory_space<hbm>>) dst(%dma_wait3A_67 : memref<1x12xf32, #tpu.memory_space<hbm>>)
      %dma_wait3A_71 = arith.constant 0 : i32
      %dma_wait3A_72 = tpu.memref_slice %arg4[%mul3A_2, %dma_wait3A_71] : memref<16384x12xf32, #tpu.memory_space<hbm>> -> memref<1x12xf32, #tpu.memory_space<hbm>>
      %dma_wait3A_73 = arith.constant 0 : i32
      %dma_wait3A_74 = arith.constant 0 : i32
      %dma_wait3A_75 = tpu.memref_slice %arg3[%dma_wait3A_73, %dma_wait3A_74] : memref<1000000x12xf32, #tpu.memory_space<hbm>> -> memref<1x12xf32, #tpu.memory_space<hbm>>
      tpu.wait_dma2 semaphore(%arg9 : memref<!tpu.dma_semaphore, #tpu.memory_space<semaphore_mem>>) src(%dma_wait3A_75 : memref<1x12xf32, #tpu.memory_space<hbm>>) dst(%dma_wait3A_72 : memref<1x12xf32, #tpu.memory_space<hbm>>)
      %dma_wait3A_76 = arith.constant 0 : i32
      %dma_wait3A_77 = tpu.memref_slice %arg4[%mul3A_2, %dma_wait3A_76] : memref<16384x12xf32, #tpu.memory_space<hbm>> -> memref<1x12xf32, #tpu.memory_space<hbm>>
      %dma_wait3A_78 = arith.constant 0 : i32
      %dma_wait3A_79 = arith.constant 0 : i32
      %dma_wait3A_80 = tpu.memref_slice %arg3[%dma_wait3A_78, %dma_wait3A_79] : memref<1000000x12xf32, #tpu.memory_space<hbm>> -> memref<1x12xf32, #tpu.memory_space<hbm>>
      tpu.wait_dma2 semaphore(%arg10 : memref<!tpu.dma_semaphore, #tpu.memory_space<semaphore_mem>>) src(%dma_wait3A_80 : memref<1x12xf32, #tpu.memory_space<hbm>>) dst(%dma_wait3A_77 : memref<1x12xf32, #tpu.memory_space<hbm>>)
      %dma_wait3A_81 = arith.constant 0 : i32
      %dma_wait3A_82 = tpu.memref_slice %arg4[%mul3A_2, %dma_wait3A_81] : memref<16384x12xf32, #tpu.memory_space<hbm>> -> memref<1x12xf32, #tpu.memory_space<hbm>>
      %dma_wait3A_83 = arith.constant 0 : i32
      %dma_wait3A_84 = arith.constant 0 : i32
      %dma_wait3A_85 = tpu.memref_slice %arg3[%dma_wait3A_83, %dma_wait3A_84] : memref<1000000x12xf32, #tpu.memory_space<hbm>> -> memref<1x12xf32, #tpu.memory_space<hbm>>
      tpu.wait_dma2 semaphore(%arg11 : memref<!tpu.dma_semaphore, #tpu.memory_space<semaphore_mem>>) src(%dma_wait3A_85 : memref<1x12xf32, #tpu.memory_space<hbm>>) dst(%dma_wait3A_82 : memref<1x12xf32, #tpu.memory_space<hbm>>)
      %dma_wait3A_86 = arith.constant 0 : i32
      %dma_wait3A_87 = tpu.memref_slice %arg4[%mul3A_2, %dma_wait3A_86] : memref<16384x12xf32, #tpu.memory_space<hbm>> -> memref<1x12xf32, #tpu.memory_space<hbm>>
      %dma_wait3A_88 = arith.constant 0 : i32
      %dma_wait3A_89 = arith.constant 0 : i32
      %dma_wait3A_90 = tpu.memref_slice %arg3[%dma_wait3A_88, %dma_wait3A_89] : memref<1000000x12xf32, #tpu.memory_space<hbm>> -> memref<1x12xf32, #tpu.memory_space<hbm>>
      tpu.wait_dma2 semaphore(%arg12 : memref<!tpu.dma_semaphore, #tpu.memory_space<semaphore_mem>>) src(%dma_wait3A_90 : memref<1x12xf32, #tpu.memory_space<hbm>>) dst(%dma_wait3A_87 : memref<1x12xf32, #tpu.memory_space<hbm>>)
      %dma_wait3A_91 = arith.constant 0 : i32
      %dma_wait3A_92 = tpu.memref_slice %arg4[%mul3A_2, %dma_wait3A_91] : memref<16384x12xf32, #tpu.memory_space<hbm>> -> memref<1x12xf32, #tpu.memory_space<hbm>>
      %dma_wait3A_93 = arith.constant 0 : i32
      %dma_wait3A_94 = arith.constant 0 : i32
      %dma_wait3A_95 = tpu.memref_slice %arg3[%dma_wait3A_93, %dma_wait3A_94] : memref<1000000x12xf32, #tpu.memory_space<hbm>> -> memref<1x12xf32, #tpu.memory_space<hbm>>
      tpu.wait_dma2 semaphore(%arg13 : memref<!tpu.dma_semaphore, #tpu.memory_space<semaphore_mem>>) src(%dma_wait3A_95 : memref<1x12xf32, #tpu.memory_space<hbm>>) dst(%dma_wait3A_92 : memref<1x12xf32, #tpu.memory_space<hbm>>)
      %scan3A_96 = arith.constant 2 : i32
      %scan3A_97 = arith.addi %scan3A_14, %scan3A_96 : i32
      %dma_wait3A_98 = arith.constant 0 : i32
      %dma_wait3A_99 = tpu.memref_slice %arg4[%mul3A_2, %dma_wait3A_98] : memref<16384x12xf32, #tpu.memory_space<hbm>> -> memref<1x12xf32, #tpu.memory_space<hbm>>
      %dma_wait3A_100 = arith.constant 0 : i32
      %dma_wait3A_101 = arith.constant 0 : i32
      %dma_wait3A_102 = tpu.memref_slice %arg3[%dma_wait3A_100, %dma_wait3A_101] : memref<1000000x12xf32, #tpu.memory_space<hbm>> -> memref<1x12xf32, #tpu.memory_space<hbm>>
      tpu.wait_dma2 semaphore(%arg6 : memref<!tpu.dma_semaphore, #tpu.memory_space<semaphore_mem>>) src(%dma_wait3A_102 : memref<1x12xf32, #tpu.memory_space<hbm>>) dst(%dma_wait3A_99 : memref<1x12xf32, #tpu.memory_space<hbm>>)
      %dma_wait3A_103 = arith.constant 0 : i32
      %dma_wait3A_104 = tpu.memref_slice %arg4[%mul3A_2, %dma_wait3A_103] : memref<16384x12xf32, #tpu.memory_space<hbm>> -> memref<1x12xf32, #tpu.memory_space<hbm>>
      %dma_wait3A_105 = arith.constant 0 : i32
      %dma_wait3A_106 = arith.constant 0 : i32
      %dma_wait3A_107 = tpu.memref_slice %arg3[%dma_wait3A_105, %dma_wait3A_106] : memref<1000000x12xf32, #tpu.memory_space<hbm>> -> memref<1x12xf32, #tpu.memory_space<hbm>>
      tpu.wait_dma2 semaphore(%arg7 : memref<!tpu.dma_semaphore, #tpu.memory_space<semaphore_mem>>) src(%dma_wait3A_107 : memref<1x12xf32, #tpu.memory_space<hbm>>) dst(%dma_wait3A_104 : memref<1x12xf32, #tpu.memory_space<hbm>>)
      %dma_wait3A_108 = arith.constant 0 : i32
      %dma_wait3A_109 = tpu.memref_slice %arg4[%mul3A_2, %dma_wait3A_108] : memref<16384x12xf32, #tpu.memory_space<hbm>> -> memref<1x12xf32, #tpu.memory_space<hbm>>
      %dma_wait3A_110 = arith.constant 0 : i32
      %dma_wait3A_111 = arith.constant 0 : i32
      %dma_wait3A_112 = tpu.memref_slice %arg3[%dma_wait3A_110, %dma_wait3A_111] : memref<1000000x12xf32, #tpu.memory_space<hbm>> -> memref<1x12xf32, #tpu.memory_space<hbm>>
      tpu.wait_dma2 semaphore(%arg8 : memref<!tpu.dma_semaphore, #tpu.memory_space<semaphore_mem>>) src(%dma_wait3A_112 : memref<1x12xf32, #tpu.memory_space<hbm>>) dst(%dma_wait3A_109 : memref<1x12xf32, #tpu.memory_space<hbm>>)
      %dma_wait3A_113 = arith.constant 0 : i32
      %dma_wait3A_114 = tpu.memref_slice %arg4[%mul3A_2, %dma_wait3A_113] : memref<16384x12xf32, #tpu.memory_space<hbm>> -> memref<1x12xf32, #tpu.memory_space<hbm>>
      %dma_wait3A_115 = arith.constant 0 : i32
      %dma_wait3A_116 = arith.constant 0 : i32
      %dma_wait3A_117 = tpu.memref_slice %arg3[%dma_wait3A_115, %dma_wait3A_116] : memref<1000000x12xf32, #tpu.memory_space<hbm>> -> memref<1x12xf32, #tpu.memory_space<hbm>>
      tpu.wait_dma2 semaphore(%arg9 : memref<!tpu.dma_semaphore, #tpu.memory_space<semaphore_mem>>) src(%dma_wait3A_117 : memref<1x12xf32, #tpu.memory_space<hbm>>) dst(%dma_wait3A_114 : memref<1x12xf32, #tpu.memory_space<hbm>>)
      %dma_wait3A_118 = arith.constant 0 : i32
      %dma_wait3A_119 = tpu.memref_slice %arg4[%mul3A_2, %dma_wait3A_118] : memref<16384x12xf32, #tpu.memory_space<hbm>> -> memref<1x12xf32, #tpu.memory_space<hbm>>
      %dma_wait3A_120 = arith.constant 0 : i32
      %dma_wait3A_121 = arith.constant 0 : i32
      %dma_wait3A_122 = tpu.memref_slice %arg3[%dma_wait3A_120, %dma_wait3A_121] : memref<1000000x12xf32, #tpu.memory_space<hbm>> -> memref<1x12xf32, #tpu.memory_space<hbm>>
      tpu.wait_dma2 semaphore(%arg10 : memref<!tpu.dma_semaphore, #tpu.memory_space<semaphore_mem>>) src(%dma_wait3A_122 : memref<1x12xf32, #tpu.memory_space<hbm>>) dst(%dma_wait3A_119 : memref<1x12xf32, #tpu.memory_space<hbm>>)
      %dma_wait3A_123 = arith.constant 0 : i32
      %dma_wait3A_124 = tpu.memref_slice %arg4[%mul3A_2, %dma_wait3A_123] : memref<16384x12xf32, #tpu.memory_space<hbm>> -> memref<1x12xf32, #tpu.memory_space<hbm>>
      %dma_wait3A_125 = arith.constant 0 : i32
      %dma_wait3A_126 = arith.constant 0 : i32
      %dma_wait3A_127 = tpu.memref_slice %arg3[%dma_wait3A_125, %dma_wait3A_126] : memref<1000000x12xf32, #tpu.memory_space<hbm>> -> memref<1x12xf32, #tpu.memory_space<hbm>>
      tpu.wait_dma2 semaphore(%arg11 : memref<!tpu.dma_semaphore, #tpu.memory_space<semaphore_mem>>) src(%dma_wait3A_127 : memref<1x12xf32, #tpu.memory_space<hbm>>) dst(%dma_wait3A_124 : memref<1x12xf32, #tpu.memory_space<hbm>>)
      %dma_wait3A_128 = arith.constant 0 : i32
      %dma_wait3A_129 = tpu.memref_slice %arg4[%mul3A_2, %dma_wait3A_128] : memref<16384x12xf32, #tpu.memory_space<hbm>> -> memref<1x12xf32, #tpu.memory_space<hbm>>
      %dma_wait3A_130 = arith.constant 0 : i32
      %dma_wait3A_131 = arith.constant 0 : i32
      %dma_wait3A_132 = tpu.memref_slice %arg3[%dma_wait3A_130, %dma_wait3A_131] : memref<1000000x12xf32, #tpu.memory_space<hbm>> -> memref<1x12xf32, #tpu.memory_space<hbm>>
      tpu.wait_dma2 semaphore(%arg12 : memref<!tpu.dma_semaphore, #tpu.memory_space<semaphore_mem>>) src(%dma_wait3A_132 : memref<1x12xf32, #tpu.memory_space<hbm>>) dst(%dma_wait3A_129 : memref<1x12xf32, #tpu.memory_space<hbm>>)
      %dma_wait3A_133 = arith.constant 0 : i32
      %dma_wait3A_134 = tpu.memref_slice %arg4[%mul3A_2, %dma_wait3A_133] : memref<16384x12xf32, #tpu.memory_space<hbm>> -> memref<1x12xf32, #tpu.memory_space<hbm>>
      %dma_wait3A_135 = arith.constant 0 : i32
      %dma_wait3A_136 = arith.constant 0 : i32
      %dma_wait3A_137 = tpu.memref_slice %arg3[%dma_wait3A_135, %dma_wait3A_136] : memref<1000000x12xf32, #tpu.memory_space<hbm>> -> memref<1x12xf32, #tpu.memory_space<hbm>>
      tpu.wait_dma2 semaphore(%arg13 : memref<!tpu.dma_semaphore, #tpu.memory_space<semaphore_mem>>) src(%dma_wait3A_137 : memref<1x12xf32, #tpu.memory_space<hbm>>) dst(%dma_wait3A_134 : memref<1x12xf32, #tpu.memory_space<hbm>>)
      %scan3A_138 = arith.constant 3 : i32
      %scan3A_139 = arith.addi %scan3A_14, %scan3A_138 : i32
      %dma_wait3A_140 = arith.constant 0 : i32
      %dma_wait3A_141 = tpu.memref_slice %arg4[%mul3A_2, %dma_wait3A_140] : memref<16384x12xf32, #tpu.memory_space<hbm>> -> memref<1x12xf32, #tpu.memory_space<hbm>>
      %dma_wait3A_142 = arith.constant 0 : i32
      %dma_wait3A_143 = arith.constant 0 : i32
      %dma_wait3A_144 = tpu.memref_slice %arg3[%dma_wait3A_142, %dma_wait3A_143] : memref<1000000x12xf32, #tpu.memory_space<hbm>> -> memref<1x12xf32, #tpu.memory_space<hbm>>
      tpu.wait_dma2 semaphore(%arg6 : memref<!tpu.dma_semaphore, #tpu.memory_space<semaphore_mem>>) src(%dma_wait3A_144 : memref<1x12xf32, #tpu.memory_space<hbm>>) dst(%dma_wait3A_141 : memref<1x12xf32, #tpu.memory_space<hbm>>)
      %dma_wait3A_145 = arith.constant 0 : i32
      %dma_wait3A_146 = tpu.memref_slice %arg4[%mul3A_2, %dma_wait3A_145] : memref<16384x12xf32, #tpu.memory_space<hbm>> -> memref<1x12xf32, #tpu.memory_space<hbm>>
      %dma_wait3A_147 = arith.constant 0 : i32
      %dma_wait3A_148 = arith.constant 0 : i32
      %dma_wait3A_149 = tpu.memref_slice %arg3[%dma_wait3A_147, %dma_wait3A_148] : memref<1000000x12xf32, #tpu.memory_space<hbm>> -> memref<1x12xf32, #tpu.memory_space<hbm>>
      tpu.wait_dma2 semaphore(%arg7 : memref<!tpu.dma_semaphore, #tpu.memory_space<semaphore_mem>>) src(%dma_wait3A_149 : memref<1x12xf32, #tpu.memory_space<hbm>>) dst(%dma_wait3A_146 : memref<1x12xf32, #tpu.memory_space<hbm>>)
      %dma_wait3A_150 = arith.constant 0 : i32
      %dma_wait3A_151 = tpu.memref_slice %arg4[%mul3A_2, %dma_wait3A_150] : memref<16384x12xf32, #tpu.memory_space<hbm>> -> memref<1x12xf32, #tpu.memory_space<hbm>>
      %dma_wait3A_152 = arith.constant 0 : i32
      %dma_wait3A_153 = arith.constant 0 : i32
      %dma_wait3A_154 = tpu.memref_slice %arg3[%dma_wait3A_152, %dma_wait3A_153] : memref<1000000x12xf32, #tpu.memory_space<hbm>> -> memref<1x12xf32, #tpu.memory_space<hbm>>
      tpu.wait_dma2 semaphore(%arg8 : memref<!tpu.dma_semaphore, #tpu.memory_space<semaphore_mem>>) src(%dma_wait3A_154 : memref<1x12xf32, #tpu.memory_space<hbm>>) dst(%dma_wait3A_151 : memref<1x12xf32, #tpu.memory_space<hbm>>)
      %dma_wait3A_155 = arith.constant 0 : i32
      %dma_wait3A_156 = tpu.memref_slice %arg4[%mul3A_2, %dma_wait3A_155] : memref<16384x12xf32, #tpu.memory_space<hbm>> -> memref<1x12xf32, #tpu.memory_space<hbm>>
      %dma_wait3A_157 = arith.constant 0 : i32
      %dma_wait3A_158 = arith.constant 0 : i32
      %dma_wait3A_159 = tpu.memref_slice %arg3[%dma_wait3A_157, %dma_wait3A_158] : memref<1000000x12xf32, #tpu.memory_space<hbm>> -> memref<1x12xf32, #tpu.memory_space<hbm>>
      tpu.wait_dma2 semaphore(%arg9 : memref<!tpu.dma_semaphore, #tpu.memory_space<semaphore_mem>>) src(%dma_wait3A_159 : memref<1x12xf32, #tpu.memory_space<hbm>>) dst(%dma_wait3A_156 : memref<1x12xf32, #tpu.memory_space<hbm>>)
      %dma_wait3A_160 = arith.constant 0 : i32
      %dma_wait3A_161 = tpu.memref_slice %arg4[%mul3A_2, %dma_wait3A_160] : memref<16384x12xf32, #tpu.memory_space<hbm>> -> memref<1x12xf32, #tpu.memory_space<hbm>>
      %dma_wait3A_162 = arith.constant 0 : i32
      %dma_wait3A_163 = arith.constant 0 : i32
      %dma_wait3A_164 = tpu.memref_slice %arg3[%dma_wait3A_162, %dma_wait3A_163] : memref<1000000x12xf32, #tpu.memory_space<hbm>> -> memref<1x12xf32, #tpu.memory_space<hbm>>
      tpu.wait_dma2 semaphore(%arg10 : memref<!tpu.dma_semaphore, #tpu.memory_space<semaphore_mem>>) src(%dma_wait3A_164 : memref<1x12xf32, #tpu.memory_space<hbm>>) dst(%dma_wait3A_161 : memref<1x12xf32, #tpu.memory_space<hbm>>)
      %dma_wait3A_165 = arith.constant 0 : i32
      %dma_wait3A_166 = tpu.memref_slice %arg4[%mul3A_2, %dma_wait3A_165] : memref<16384x12xf32, #tpu.memory_space<hbm>> -> memref<1x12xf32, #tpu.memory_space<hbm>>
      %dma_wait3A_167 = arith.constant 0 : i32
      %dma_wait3A_168 = arith.constant 0 : i32
      %dma_wait3A_169 = tpu.memref_slice %arg3[%dma_wait3A_167, %dma_wait3A_168] : memref<1000000x12xf32, #tpu.memory_space<hbm>> -> memref<1x12xf32, #tpu.memory_space<hbm>>
      tpu.wait_dma2 semaphore(%arg11 : memref<!tpu.dma_semaphore, #tpu.memory_space<semaphore_mem>>) src(%dma_wait3A_169 : memref<1x12xf32, #tpu.memory_space<hbm>>) dst(%dma_wait3A_166 : memref<1x12xf32, #tpu.memory_space<hbm>>)
      %dma_wait3A_170 = arith.constant 0 : i32
      %dma_wait3A_171 = tpu.memref_slice %arg4[%mul3A_2, %dma_wait3A_170] : memref<16384x12xf32, #tpu.memory_space<hbm>> -> memref<1x12xf32, #tpu.memory_space<hbm>>
      %dma_wait3A_172 = arith.constant 0 : i32
      %dma_wait3A_173 = arith.constant 0 : i32
      %dma_wait3A_174 = tpu.memref_slice %arg3[%dma_wait3A_172, %dma_wait3A_173] : memref<1000000x12xf32, #tpu.memory_space<hbm>> -> memref<1x12xf32, #tpu.memory_space<hbm>>
      tpu.wait_dma2 semaphore(%arg12 : memref<!tpu.dma_semaphore, #tpu.memory_space<semaphore_mem>>) src(%dma_wait3A_174 : memref<1x12xf32, #tpu.memory_space<hbm>>) dst(%dma_wait3A_171 : memref<1x12xf32, #tpu.memory_space<hbm>>)
      %dma_wait3A_175 = arith.constant 0 : i32
      %dma_wait3A_176 = tpu.memref_slice %arg4[%mul3A_2, %dma_wait3A_175] : memref<16384x12xf32, #tpu.memory_space<hbm>> -> memref<1x12xf32, #tpu.memory_space<hbm>>
      %dma_wait3A_177 = arith.constant 0 : i32
      %dma_wait3A_178 = arith.constant 0 : i32
      %dma_wait3A_179 = tpu.memref_slice %arg3[%dma_wait3A_177, %dma_wait3A_178] : memref<1000000x12xf32, #tpu.memory_space<hbm>> -> memref<1x12xf32, #tpu.memory_space<hbm>>
      tpu.wait_dma2 semaphore(%arg13 : memref<!tpu.dma_semaphore, #tpu.memory_space<semaphore_mem>>) src(%dma_wait3A_179 : memref<1x12xf32, #tpu.memory_space<hbm>>) dst(%dma_wait3A_176 : memref<1x12xf32, #tpu.memory_space<hbm>>)
    }
    %scan3A_13 = arith.constant 128 : i32
    return
  }
}

module attributes {stable_mosaic.version = 14 : i64} {
  func.func @_bn_body(%arg0: memref<16384x12xf32, #tpu.memory_space<vmem>>, %arg1: memref<1x12xf32, #tpu.memory_space<vmem>>, %arg2: memref<1x12xf32, #tpu.memory_space<vmem>>, %arg3: memref<16384x12xf32, #tpu.memory_space<vmem>>) attributes {dimension_semantics = [], scalar_prefetch = 0 : i64, scratch_operands = 0 : i64, tpu.core_type = #tpu.core_type<tc>} {
    %get3A = arith.constant 0 : index
    %get3A_0 = arith.constant 0 : index
    %get3A_1 = vector.load %arg0[%get3A, %get3A_0] : memref<16384x12xf32, #tpu.memory_space<vmem>>, vector<16384x12xf32>
    %reduce_sum3A = arith.constant dense<0.000000e+00> : vector<12xf32>
    %reduce_sum3A_2 = vector.multi_reduction <add>, %get3A_1, %reduce_sum3A [0] : vector<16384x12xf32> to vector<12xf32>
    %broadcast_in_dim3A = vector.shape_cast %reduce_sum3A_2 : vector<12xf32> to vector<1x12xf32>
    %div3A = arith.constant 1.638400e+04 : f32
    %div3A_3 = vector.broadcast %div3A : f32 to vector<1x12xf32>
    %div3A_4 = arith.divf %broadcast_in_dim3A, %div3A_3 : vector<1x12xf32>
    %sub3A = vector.broadcast %div3A_4 : vector<1x12xf32> to vector<16384x12xf32>
    %sub3A_5 = arith.subf %get3A_1, %sub3A : vector<16384x12xf32>
    %sub3A_6 = vector.broadcast %div3A_4 : vector<1x12xf32> to vector<16384x12xf32>
    %sub3A_7 = arith.subf %get3A_1, %sub3A_6 : vector<16384x12xf32>
    %mul3A = arith.mulf %sub3A_5, %sub3A_7 : vector<16384x12xf32>
    %reduce_sum3A_8 = arith.constant dense<0.000000e+00> : vector<12xf32>
    %reduce_sum3A_9 = vector.multi_reduction <add>, %mul3A, %reduce_sum3A_8 [0] : vector<16384x12xf32> to vector<12xf32>
    %broadcast_in_dim3A_10 = vector.shape_cast %reduce_sum3A_9 : vector<12xf32> to vector<1x12xf32>
    %div3A_11 = arith.constant 1.638400e+04 : f32
    %div3A_12 = vector.broadcast %div3A_11 : f32 to vector<1x12xf32>
    %div3A_13 = arith.divf %broadcast_in_dim3A_10, %div3A_12 : vector<1x12xf32>
    %add3A = arith.constant 9.99999974E-6 : f32
    %add3A_14 = vector.broadcast %add3A : f32 to vector<1x12xf32>
    %add3A_15 = arith.addf %div3A_13, %add3A_14 : vector<1x12xf32>
    %rsqrt3A = math.rsqrt %add3A_15 : vector<1x12xf32>
    %sub3A_16 = vector.broadcast %div3A_4 : vector<1x12xf32> to vector<16384x12xf32>
    %sub3A_17 = arith.subf %get3A_1, %sub3A_16 : vector<16384x12xf32>
    %get3A_18 = arith.constant 0 : index
    %get3A_19 = arith.constant 0 : index
    %get3A_20 = vector.load %arg1[%get3A_18, %get3A_19] : memref<1x12xf32, #tpu.memory_space<vmem>>, vector<1x12xf32>
    %mul3A_21 = arith.mulf %rsqrt3A, %get3A_20 : vector<1x12xf32>
    %mul3A_22 = vector.broadcast %mul3A_21 : vector<1x12xf32> to vector<16384x12xf32>
    %mul3A_23 = arith.mulf %sub3A_17, %mul3A_22 : vector<16384x12xf32>
    %get3A_24 = arith.constant 0 : index
    %get3A_25 = arith.constant 0 : index
    %get3A_26 = vector.load %arg2[%get3A_24, %get3A_25] : memref<1x12xf32, #tpu.memory_space<vmem>>, vector<1x12xf32>
    %add3A_27 = vector.broadcast %get3A_26 : vector<1x12xf32> to vector<16384x12xf32>
    %add3A_28 = arith.addf %mul3A_23, %add3A_27 : vector<16384x12xf32>
    %swap3A = arith.constant 0 : index
    %swap3A_29 = arith.constant 0 : index
    %swap3A_30 = vector.load %arg3[%swap3A, %swap3A_29] : memref<16384x12xf32, #tpu.memory_space<vmem>>, vector<16384x12xf32>
    tpu.vector_store %arg3[%swap3A, %swap3A_29], %add3A_28 {strides = array<i32>} : memref<16384x12xf32, #tpu.memory_space<vmem>>, vector<16384x12xf32>,
    return
  }
}

</mosaic_0001>

<sc_bundles>
// kernel: kernel.4.cloned.1.call-start
scs
__scs_entry_jumppad:
0x0: {  	(pc) =	sbr.rel $0x88, $3  }
0x1: {  	(tag) =	ssettag $0x0;
	lr =	simm.s32 $0x1  }
0x2: {  	[smem:$0x3F9D] =	sst lr;
	_ =	strace $0xD0000000  }
0x3: {  	_ = 	snop  }
0x4: {  	_ = 	snop  }
0x5: {  	_ = 	snop  }
0x6: {  	_ = 	snop  }
0x7: {  	_ = 	snop  }
__scs_overlays_trampoline_lowered:
0x8: {  	[smem:$0x3FAC] =	sst s0  }
0x9: {  	[smem:$0x3FAD] =	sst s1  }
0xa: {  	[smem:$0x3FAE] =	sst s2  }
0xb: {  	[smem:$0x3FAF] =	sst s3  }
0xc: {  	[smem:$0x3FB0] =	sst s4  }
0xd: {  	[smem:$0x3FB1] =	sst s5  }
0xe: {  	[smem:$0x3FB2] =	sst s6  }
0xf: {  	[smem:$0x3FB3] =	sst s7  }
0x10: {  	[smem:$0x3FB4] =	sst s8  }
0x11: {  	[smem:$0x3FB5] =	sst s9;
	s0 =	simm.s32 @!p0 $0x0  }
0x12: {  	s1 =	sld [smem:$0x3F9B];
	s0 =	simm.s32 @p0 $0x1  }
0x13: {  	[smem:$0x3FB6] =	sst s0;
	s0 =	simm.s32 @!p1 $0x0  }
0x14: {  	s2 =	sld [smem:$0x3F9A];
	s0 =	simm.s32 @p1 $0x1  }
0x15: {  	[smem:$0x3FB7] =	sst s0;
	s0 =	simm.s32 @!p2 $0x0  }
0x16: {  	s3 =	sld [smem:$0x3FDB];
	s0 =	simm.s32 @p2 $0x1  }
0x17: {  	s4 =	simm.s32 $0x1BF5;
	[smem:$0x3FB9] =	sst s0  }
0x18: {  	s0 =	sld [smem:$0x3F9C];
	_ =	swait.ge [sflag:s4], $0x0  }
0x19: {  	s7 =	sld [smem:$0x3F9D]  }
0x1a: {  	s8 =	sadd.s32 $0xFFFFE003, lr  }
0x1b: {  	s9 =	sadd.s32 $0xFFFFFEF7, lr;
	s5 =	simm.s32 $0xFFFFFFFF;
	p2 =	slt.u32 s8, $0xFFFFF086  }
0x1c: {  	p1 =	slt.u32 s9, $0xF7A;
	s5 =	simm.s32 @!p2 $0x0  }
0x1d: {  	s5 =	simm.s32 @p1 $0x1;
	p0 =	seq.s32 s7, s2  }
0x1e: {  	s7 =	smul.u32 @!p0 $0xF7A, s2;
	p2 =	seq.s32 @!p0 s5, $0x0  }
0x1f: {  	s9 =	smul.u32 $0xF7A, s1;
	s8 =	simm.s32 @!p0 $0x1BF5;
	p2 =	por !p2, p0  }
0x20: {  	[sflag:s8] =	ssyncset.s32 @!p0 $0xFFFFF086;
	s6 =	sadd.s32 @!p0 s3, s7;
	s7 =	simm.s32 @!p0 $0x108  }
0x21: {  	s3 =	sadd.s32 s3, s9;
	s6 =	sadd.s32 @!p0 $0x88, s6;
	s7 =	simm.s32 @p2 $0x1082  }
0x22: {  	[simem:s7], [sflag:s8] =	dma.local @!p0 [hbm:s6], $0xF7A  }
0x23: {  	s9 =	sor.u32 $0xD0000000, s2;
	s6 =	simm.s32 $0x108;
	_ =	swait.ge @!p0 [sflag:s8], $0x0  }
0x24: {  	s3 =	sadd.s32 $0x88, s3;
	s6 =	simm.s32 @!p1 $0x1082;
	[sflag:s4] =	ssyncset.s32 $0xFFFFF086  }
0x25: {  	[simem:s6], [sflag:s4] =	dma.local [hbm:s3], $0xF7A  }
0x26: {  	[smem:$0x3F9D] =	sst s1;
	(tag) =	ssettag s2;
	_ =	strace s9  }
0x27: {  	s1 =	sld [smem:$0x3FAD]  }
0x28: {  	s2 =	sld [smem:$0x3FAE]  }
0x29: {  	s4 =	sld [smem:$0x3FB0]  }
0x2a: {  	p0 =	seq.s32 s5, $0x0;
	s5 =	sld [smem:$0x3FB1]  }
0x2b: {  	s6 =	sld [smem:$0x3FB2]  }
0x2c: {  	s7 =	sld [smem:$0x3FB3]  }
0x2d: {  	s3 =	simm.s32 $0x108;
	s8 =	sld [smem:$0x3FB4]  }
0x2e: {  	s3 =	simm.s32 @!p0 $0x1082;
	s9 =	sld [smem:$0x3FB5]  }
0x2f: {  	lr =	sadd.s32 s0, s3;
	s0 =	sld [smem:$0x3FAC]  }
0x30: {  	s3 =	sld [smem:$0x3FAF]  }
0x31: {  	[smem:$0x3FB8] =	sst s10  }
0x32: {  	s10 =	sld [smem:$0x3FB6];
	_ =	sdelay $0x3  }
0x33: {  	p0 =	seq.s32 s10, $0x1;
	s10 =	sld [smem:$0x3FB8];
	_ =	sdelay $0x3  }
0x34: {  	[smem:$0x3FB8] =	sst s10  }
0x35: {  	s10 =	sld [smem:$0x3FB7];
	_ =	sdelay $0x3  }
0x36: {  	p1 =	seq.s32 s10, $0x1;
	s10 =	sld [smem:$0x3FB8];
	_ =	sdelay $0x3  }
0x37: {  	[smem:$0x3FB8] =	sst s10  }
0x38: {  	s10 =	sld [smem:$0x3FB9]  }
0x39: {  	_ = 	snop;
	(pc) =	sbr.ind lr, $3  }
0x3a: {  	_ = 	snop  }
0x3b: {  	_ = 	snop  }
0x3c: {  	p2 =	seq.s32 s10, $0x1;
	s10 =	sld [smem:$0x3FB8]  }
0x3d: {  	_ =	shalt  }
0x3e: {  	_ =	shalt  }
0x3f: {  	_ =	shalt  }
0x40: {  	_ =	shalt  }
0x41: {  	_ =	shalt  }
0x42: {  	_ =	shalt  }
0x43: {  	_ =	shalt  }
0x44: {  	_ =	shalt  }
0x45: {  	_ =	shalt  }
0x46: {  	_ =	shalt  }
0x47: {  	_ =	shalt  }
0x48: {  	_ =	shalt  }
0x49: {  	_ =	shalt  }
0x4a: {  	_ =	shalt  }
0x4b: {  	_ =	shalt  }
0x4c: {  	_ =	shalt  }
0x4d: {  	_ =	shalt  }
0x4e: {  	_ =	shalt  }
0x4f: {  	_ =	shalt  }
0x50: {  	_ =	shalt  }
0x51: {  	_ =	shalt  }
0x52: {  	_ =	shalt  }
0x53: {  	_ =	shalt  }
0x54: {  	_ =	shalt  }
0x55: {  	_ =	shalt  }
0x56: {  	_ =	shalt  }
0x57: {  	_ =	shalt  }
0x58: {  	_ =	shalt  }
0x59: {  	_ =	shalt  }
0x5a: {  	_ =	shalt  }
0x5b: {  	_ =	shalt  }
0x5c: {  	_ =	shalt  }
0x5d: {  	_ =	shalt  }
0x5e: {  	_ =	shalt  }
0x5f: {  	_ =	shalt  }
0x60: {  	_ =	shalt  }
0x61: {  	_ =	shalt  }
0x62: {  	_ =	shalt  }
0x63: {  	_ =	shalt  }
0x64: {  	_ =	shalt  }
0x65: {  	_ =	shalt  }
0x66: {  	_ =	shalt  }
0x67: {  	_ =	shalt  }
0x68: {  	_ =	shalt  }
0x69: {  	_ =	shalt  }
0x6a: {  	_ =	shalt  }
0x6b: {  	_ =	shalt  }
0x6c: {  	_ =	shalt  }
0x6d: {  	_ =	shalt  }
0x6e: {  	_ =	shalt  }
0x6f: {  	_ =	shalt  }
0x70: {  	_ =	shalt  }
0x71: {  	_ =	shalt  }
0x72: {  	_ =	shalt  }
0x73: {  	_ =	shalt  }
0x74: {  	_ =	shalt  }
0x75: {  	_ =	shalt  }
0x76: {  	_ =	shalt  }
0x77: {  	_ =	shalt  }
0x78: {  	_ =	shalt  }
0x79: {  	_ =	shalt  }
0x7a: {  	_ =	shalt  }
0x7b: {  	_ =	shalt  }
0x7c: {  	_ =	shalt  }
0x7d: {  	_ =	shalt  }
0x7e: {  	_ =	shalt  }
0x7f: {  	_ =	shalt  }
0x80: {  	_ =	shalt  }
0x81: {  	_ =	shalt  }
0x82: {  	_ =	shalt  }
0x83: {  	_ =	shalt  }
0x84: {  	_ =	shalt  }
0x85: {  	_ =	shalt  }
0x86: {  	_ =	shalt  }
0x87: {  	_ =	shalt  }
.Lfunc_end0:
.L_simem_size_0:
called_computation_lowered:
.L_overlay_start_0:
0x88: {  	s0 =	sld [smem:$0x3FD9]  }
0x89: {  	s1 =	sld [smem:$0x3FFE];
	_ =	sdelay $0x3  }
0x8a: {  	s0 =	sadd.s32 s1, s0  }
0x8b: {  	[smem:$0x3FC4] =	sst s0  }
0x8c: {  	_ = 	snop  }
0x8d: {  	s0 =	sld [smem:$0x3FC9];
	(tm) =	ssettm $0x1  }
0x8e: {  	s16 =	sld [smem:$0x3FFB];
	_ =	sdelay $0x3  }
0x8f: {  	_ =	strace s16  }
0x90: {  	s1 =	sld [smem:$0x3FFC];
	_ =	sdelay $0x3  }
0x91: {  	_ =	strace s1  }
0x92: {  	s1 =	sld [smem:$0x3FFD];
	_ =	sdelay $0x3  }
0x93: {  	_ =	strace s1  }
0x94: {  	_ =	strace $0x8FFFFFFF  }
0x95: {  	s17 =	sld [smem:$0x3FDB];
	_ =	sdelay $0x1  }
0x96: {  	s2 =	simm.s32 $_scs_section_size  }
0x97: {  	s3 =	simm.s32 $_size__tile_overlayer_lowered;
	s4 =	simm.s32 $_tile_overlayer_lowered  }
0x98: {  	s20 =	simm.s32 $0x1BFF;
	s19 =	sshll.u32 s4, $0x1;
	s1 =	sadd.s32 s2, s17  }
0x99: {  	s5 =	simm.s32 $0x0;
	s18 =	sshll.u32 s3, $0x1;
	s3 =	sadd.s32 s19, s1  }
0x9a: {  	[timem:s5], [sflag:s20] =	dma.local [hbm:s3], s18  }
0x9b: {  	_ =	swait.ge [sflag:s20], s18  }
0x9c: {  	s2 =	ssub.s32 $0x0, s18;
	[sflag:s20] =	ssyncset.done $0x0  }
0x9d: {  	[sflag:s20] =	ssyncadd.s32 s2;
	_ =	sdelay $0x1  }
0x9e: {  	s21 =	simm.s32 $0x1B8B  }
0x9f: {  	_ =	swait.ge [sflag:s21], $0x1  }
0xa0: {  	[sflag:s21] =	ssyncset.done $0x0  }
0xa1: {  	s23 =	simm.s32 $0x1B8E;
	s22 =	sld [smem:$0x3FFE];
	[sflag:s21] =	ssyncadd.s32 $0xFFFFFFFF  }
0xa2: {  	s24 =	simm.s32 $execute0_lowered;
	[smem:$0x3FD2] =	sst s23  }
0xa3: {  	s3 =	sshll.u32 s24, $0x1;
	_ =	strace $0x80000046;
	[dreg:$0x1] =	wrdreg $0xFFFFFFFF  }
0xa4: {  	s25 =	simm.s32 $_size_execute0_lowered;
	s1 =	sadd.s32 s1, s3;
	[dreg:$0x0] =	wrdreg $0x0  }
0xa5: {  	s3 =	sshll.u32 s25, $0x1;
	[dreg:$0x2] =	wrdreg s1  }
0xa6: {  	[dreg:$0x3] =	wrdreg s3  }
0xa7: {  	[dreg:$0x4] =	wrdreg $0xC0  }
0xa8: {  	_ =	task [dreg:s5], $0x5FFFF  }
0xa9: {  	[dreg:$0x1] =	wrdreg $0xFFFFFFFF  }
0xaa: {  	[dreg:$0x0] =	wrdreg $0x60  }
0xab: {  	[dreg:$0x2] =	wrdreg s0  }
0xac: {  	[dreg:$0x3] =	wrdreg s22  }
0xad: {  	[dreg:$0x4] =	wrdreg $0x9  }
0xae: {  	_ =	task.clear_ibuf [dreg:s5], $0x5FFFF;
	_ =	strace $0x90000046  }
0xaf: {  	s26 =	simm.s32 $0x9;
	_ =	strace $0x80000048  }
0xb0: {  	_ =	swait.ge [sflag:s26], $0x1  }
0xb1: {  	[sflag:s26] =	ssyncadd.s32 $0xFFFFFFFF  }
0xb2: {  	_ =	strace $0x90000048  }
0xb3: {  	_ =	sfence  }
0xb4: {  	s28 =	sld [smem:$0x0];
	_ =	sdelay $0x1  }
0xb5: {  	s29 =	srdreg.scid  }
0xb6: {  	s30 =	sshll.u32 s29, $0xD;
	s31 =	sshrl.u32 s29, $0x2  }
0xb7: {  	s2 =	sand.u32 $0x4000, s30;
	s1 =	sand.u32 $0x1, s29;
	s0 =	sadd.s32 s31, s28  }
0xb8: {  	s1 =	sor.u32 s2, s1;
	s0 =	sshll.u32 s0, $0x11  }
0xb9: {  	s0 =	sor.u32 s0, s1  }
0xba: {  	s0 =	sadd.s32 $0x8F2B, s0  }
0xbb: {  	[sflag:s0] =	ssyncadd.remote.s32 $0x1  }
0xbc: {  	_ =	sfence.sel $0xFFFF  }
0xbd: {  	[dreg:$0x0] =	wrdreg $0xFFFFFFFF;
	(pc) =	sbr.abs _section_cstart, $3  }
0xbe: {  	[dreg:$0x1] =	wrdreg $0xFFFFFFFF  }
0xbf: {  	_ =	task.clear_ibuf [dreg:s5], $0x2FFFF;
	_ =	strace $0x9FFFFFFF  }
0xc0: {  	(tm) =	ssettm $0x7FFFFFFF  }
0xc1: {  	_ =	shalt  }
tec
execute0_lowered:
.L_overlay_start_1:
0x0: {  	(tag) =	ssettag $0x1  }
0x1: {  	s2 =	rddreg [dreg:$0x0]  }
0x2: {  	s3 =	rddreg [dreg:$0x1];
	s4 =	simm.s32 $0x0;
	s0 =	stileid.u32  }
0x3: {  	[smem:$0x7FF] =	sst s4;
	s5 =	sshll.u32 s0, $0x7  }
0x4: {  	s29 =	simm.s32 $0x9;
	_ =	strace $0x80000047;
	s2 =	sadd.s32 s2, s5  }
0x5: {  	[tilespmem:s4], [sflag:$0x9] =	stream.linear.gather [hbm4b:s2+s4], $0x400, $0x38;
	[tilespmem:$0x400] =	vst v63  }
0x6: {  	_ =	swait.ge [sflag:s29], $0x400  }
0x7: {  	[sflag:s29] =	ssyncset.done $0x0  }
0x8: {  	s12 =	simm.s32 $0x10;
	[sflag:s29] =	ssyncadd.s32 $0xFFFFFC00  }
0x9: {  	v0 =	vld [tilespmem:s12+$0xFFFFFFF0];
	_ =	sdelay $0x4  }
0xa: {  	v0 =	vshll.u32 v0, $0x4  }
0xb: {  	(v2sf) =	vpush v0, $0x0  }
0xc: {  	(v2sf) =	vpush v0, $0x1  }
0xd: {  	(v2sf) =	vpush v0, $0x2  }
0xe: {  	(v2sf) =	vpush v0, $0x3  }
0xf: {  	(v2sf) =	vpush v0, $0x4  }
0x10: {  	(v2sf) =	vpush v0, $0x5  }
0x11: {  	(v2sf) =	vpush v0, $0x6  }
0x12: {  	(v2sf) =	vpush v0, $0x7  }
0x13: {  	(v2sf) =	vpush v0, $0x8  }
0x14: {  	(v2sf) =	vpush v0, $0x9  }
0x15: {  	(v2sf) =	vpush v0, $0xA  }
0x16: {  	(v2sf) =	vpush v0, $0xB  }
0x17: {  	(v2sf) =	vpush v0, $0xC  }
0x18: {  	(v2sf) =	vpush v0, $0xD  }
0x19: {  	s20 =	sshll.u32 s0, $0x6;
	(v2sf) =	vpush v0, $0xE  }
0x1a: {  	s11 =	sshll.u32 s0, $0xE;
	s0 =	sor.u32 $0x1C01, s20;
	s30 =	spop (v2sf);
	(v2sf) =	vpush v0, $0xF  }
0x1b: {  	s2 =	sadd.s32 $0xA00, s3;
	s3 =	sadd.s32 s11, s3;
	s31 =	spop (v2sf)  }
0x1c: {  	s1 =	sor.u32 $0x1C02, s20;
	s11 =	sadd.s32 $0xF42FF0, s3;
	s6 =	spop (v2sf)  }
0x1d: {  	s3 =	sor.u32 $0x1C03, s20;
	s23 =	sadd.s32 $0xFFFFFE10, s11;
	s7 =	spop (v2sf)  }
0x1e: {  	s24 =	sadd.s32 $0xFFFFFE40, s11;
	s25 =	sadd.s32 $0xFFFFFE50, s11;
	s8 =	spop (v2sf)  }
0x1f: {  	s26 =	sadd.s32 $0xFFFFFE60, s11;
	s29 =	sadd.s32 $0xFFFFFE70, s11;
	s9 =	spop (v2sf)  }
0x20: {  	s4 =	sand.u32 $0x1FFFFFF0, s30;
	s30 =	sadd.s32 $0xFFFFFE80, s11;
	s10 =	spop (v2sf)  }
0x21: {  	s4 =	sadd.s32 s2, s4;
	s5 =	sand.u32 $0x1FFFFFF0, s31;
	s16 =	spop (v2sf)  }
0x22: {  	s31 =	sadd.s32 $0xFFFFFE90, s11;
	s6 =	sand.u32 $0x1FFFFFF0, s6;
	s17 =	spop (v2sf)  }
0x23: {  	s5 =	sadd.s32 s2, s5;
	s6 =	sadd.s32 s2, s6;
	s18 =	spop (v2sf)  }
0x24: {  	s7 =	sand.u32 $0x1FFFFFF0, s7;
	s8 =	sand.u32 $0x1FFFFFF0, s8;
	s19 =	spop (v2sf)  }
0x25: {  	s7 =	sadd.s32 s2, s7;
	s8 =	sadd.s32 s2, s8;
	s13 =	spop (v2sf)  }
0x26: {  	s9 =	sand.u32 $0x1FFFFFF0, s9;
	s10 =	sand.u32 $0x1FFFFFF0, s10;
	s15 =	spop (v2sf)  }
0x27: {  	s9 =	sadd.s32 s2, s9;
	s10 =	sadd.s32 s2, s10;
	s14 =	spop (v2sf)  }
0x28: {  	s16 =	sand.u32 $0x1FFFFFF0, s16;
	s17 =	sand.u32 $0x1FFFFFF0, s17;
	s21 =	spop (v2sf)  }
0x29: {  	s16 =	sadd.s32 s2, s16;
	s17 =	sadd.s32 s2, s17;
	s22 =	spop (v2sf)  }
0x2a: {  	[hbm:s23], [sflag:s0] =	dma.local [hbm:s4], $0x10  }
0x2b: {  	s18 =	sand.u32 $0x1FFFFFF0, s18;
	s19 =	sand.u32 $0x1FFFFFF0, s19;
	s4 =	sadd.s32 $0xFFFFFE20, s11  }
0x2c: {  	[hbm:s4], [sflag:s1] =	dma.local [hbm:s5], $0x10  }
0x2d: {  	s18 =	sadd.s32 s2, s18;
	s19 =	sadd.s32 s2, s19;
	s5 =	sadd.s32 $0xFFFFFE30, s11  }
0x2e: {  	[hbm:s5], [sflag:s3] =	dma.local [hbm:s6], $0x10  }
0x2f: {  	s13 =	sand.u32 $0x1FFFFFF0, s13;
	s4 =	sor.u32 $0x1C04, s20;
	s5 =	sor.u32 $0x1C05, s20  }
0x30: {  	[hbm:s24], [sflag:s4] =	dma.local [hbm:s7], $0x10  }
0x31: {  	[hbm:s25], [sflag:s5] =	dma.local [hbm:s8], $0x10  }
0x32: {  	s6 =	sor.u32 $0x1C06, s20;
	s7 =	sor.u32 $0x1C07, s20;
	s8 =	sor.u32 $0x1C08, s20  }
0x33: {  	[hbm:s26], [sflag:s6] =	dma.local [hbm:s9], $0x10  }
0x34: {  	[hbm:s29], [sflag:s7] =	dma.local [hbm:s10], $0x10  }
0x35: {  	[hbm:s30], [sflag:s8] =	dma.local [hbm:s16], $0x10  }
0x36: {  	s15 =	sand.u32 $0x1FFFFFF0, s15;
	s13 =	sadd.s32 s2, s13;
	[dreg:$0x3] =	wrdreg s0  }
0x37: {  	[hbm:s31], [sflag:s0] =	dma.local [hbm:s17], $0x10  }
0x38: {  	s15 =	sadd.s32 s2, s15;
	s23 =	sadd.s32 $0xFFFFFEA0, s11;
	[dreg:$0x4] =	wrdreg s1  }
0x39: {  	[hbm:s23], [sflag:s1] =	dma.local [hbm:s18], $0x10  }
0x3a: {  	s14 =	sand.u32 $0x1FFFFFF0, s14;
	s25 =	sadd.s32 $0xFFFFFEB0, s11;
	[dreg:$0x5] =	wrdreg s3  }
0x3b: {  	[hbm:s25], [sflag:s3] =	dma.local [hbm:s19], $0x10  }
0x3c: {  	s21 =	sand.u32 $0x1FFFFFF0, s21;
	s29 =	sadd.s32 $0xFFFFFEC0, s11;
	[dreg:$0x6] =	wrdreg s4  }
0x3d: {  	[hbm:s29], [sflag:s4] =	dma.local [hbm:s13], $0x10  }
0x3e: {  	s14 =	sadd.s32 s2, s14;
	s10 =	sadd.s32 $0xFFFFFED0, s11;
	[dreg:$0x7] =	wrdreg s5  }
0x3f: {  	[hbm:s10], [sflag:s5] =	dma.local [hbm:s15], $0x10  }
0x40: {  	s22 =	sand.u32 $0x1FFFFFF0, s22;
	s24 =	sadd.s32 $0xFFFFFEE0, s11;
	[dreg:$0x8] =	wrdreg s6  }
0x41: {  	[hbm:s24], [sflag:s6] =	dma.local [hbm:s14], $0x10  }
0x42: {  	s21 =	sadd.s32 s2, s21;
	s26 =	sadd.s32 $0xFFFFFEF0, s11;
	[dreg:$0x9] =	wrdreg s7  }
0x43: {  	[hbm:s26], [sflag:s7] =	dma.local [hbm:s21], $0x10  }
0x44: {  	s22 =	sadd.s32 s2, s22;
	s9 =	sadd.s32 $0xFFFFFF00, s11;
	[dreg:$0xa] =	wrdreg s8  }
0x45: {  	[hbm:s9], [sflag:s8] =	dma.local [hbm:s22], $0x10  }
0x46: {  	v0 =	vld [tilespmem:s12+$0x0];
	_ =	sdelay $0x4  }
0x47: {  	v0 =	vshll.u32 v0, $0x4  }
0x48: {  	(v2sf) =	vpush v0, $0x0;
	_ =	sdelay $0x1  }
0x49: {  	(v2sf) =	vpush v0, $0x1  }
0x4a: {  	(v2sf) =	vpush v0, $0x2;
	_ =	sdelay $0x3  }
0x4b: {  	(v2sf) =	vpush v0, $0x3  }
0x4c: {  	(v2sf) =	vpush v0, $0x4  }
0x4d: {  	(v2sf) =	vpush v0, $0x5  }
0x4e: {  	(v2sf) =	vpush v0, $0x6  }
0x4f: {  	(v2sf) =	vpush v0, $0x7  }
0x50: {  	(v2sf) =	vpush v0, $0x8  }
0x51: {  	(v2sf) =	vpush v0, $0x9  }
0x52: {  	s28 =	simm.s32 $0x30;
	s0 =	simm.s32 $0x0;
	(v2sf) =	vpush v0, $0xA  }
0x53: {  	s23 =	sadd.s32 $0xFFFFFFE0, s11;
	s25 =	sadd.s32 $0xFFFFFFC0, s11;
	(v2sf) =	vpush v0, $0xB;
	s30 =	spop (v2sf)  }
0x54: {  	s24 =	sadd.s32 $0xFFFFFFD0, s11;
	s14 =	sadd.s32 $0xFFFFFFF0, s11;
	(v2sf) =	vpush v0, $0xC;
	s12 =	sand.u32 $0x1FFFFFF0, s30  }
0x55: {  	s26 =	sadd.s32 $0xFFFFFFB0, s11;
	(v2sf) =	vpush v0, $0xD;
	s31 =	spop (v2sf);
	s20 =	sadd.s32 s2, s12  }
0x56: {  	(v2sf) =	vpush v0, $0xE;
	s22 =	sand.u32 $0x1FFFFFF0, s31;
	s21 =	spop (v2sf);
	s12 =	smov.u32 s11  }
.LBB2_1:
0x57: {  	_ =	sdelay $0x2  }
0x58: {  	s0 =	sadd.s32 $0x2, s0;
	s31 =	spop (v2sf)  }
0x59: {  	[dreg:$0xb] =	wrdreg s0;
	p0 =	slt.u32 s0, $0x3E;
	s0 =	spop (v2sf);
	(v2sf) =	vpush v0, $0xF  }
0x5a: {  	_ =	sdelay $0x2  }
0x5b: {  	[dreg:$0x1d] =	wrdreg s25  }
0x5c: {  	[dreg:$0x19] =	wrdreg s14;
	s3 =	spop (v2sf)  }
0x5d: {  	[dreg:$0x18] =	wrdreg s24;
	s5 =	spop (v2sf)  }
0x5e: {  	[dreg:$0x17] =	wrdreg s26;
	s1 =	sadd.s32 $0xFFFFFFA0, s12;
	s6 =	spop (v2sf)  }
0x5f: {  	s4 =	sadd.s32 $0xFFFFFF90, s12;
	[dreg:$0x1c] =	wrdreg s1;
	s1 =	spop (v2sf)  }
0x60: {  	[dreg:$0x1e] =	wrdreg s4;
	s4 =	spop (v2sf)  }
0x61: {  	s29 =	sand.u32 $0x1FFFFFF0, s0;
	s0 =	sand.u32 $0x1FFFFFF0, s6;
	s6 =	spop (v2sf)  }
0x62: {  	[dreg:$0x13] =	wrdreg s23;
	s8 =	spop (v2sf)  }
0x63: {  	s14 =	sadd.s32 $0xFFFFFF80, s12;
	s19 =	sadd.s32 $0xFFFFFF70, s12;
	s9 =	spop (v2sf)  }
0x64: {  	s7 =	sadd.s32 $0xFFFFFF40, s12;
	s22 =	sadd.s32 s2, s22;
	s10 =	spop (v2sf)  }
0x65: {  	s21 =	sand.u32 $0x1FFFFFF0, s21;
	s16 =	sadd.s32 $0xFFFFFF10, s12;
	s15 =	spop (v2sf)  }
0x66: {  	s17 =	sadd.s32 $0xFFFFFF20, s12;
	s23 =	rddreg [dreg:$0x3];
	s18 =	spop (v2sf)  }
0x67: {  	[hbm:s16], [sflag:s23] =	dma.local [hbm:s20], $0x10  }
0x68: {  	s13 =	sadd.s32 $0xFFFFFF30, s12;
	s26 =	sand.u32 $0x1FFFFFF0, s31;
	s16 =	rddreg [dreg:$0x4]  }
0x69: {  	[hbm:s17], [sflag:s16] =	dma.local [hbm:s22], $0x10  }
0x6a: {  	s21 =	sadd.s32 s2, s21;
	s26 =	sadd.s32 s2, s26;
	s17 =	rddreg [dreg:$0x5]  }
0x6b: {  	[hbm:s13], [sflag:s17] =	dma.local [hbm:s21], $0x10  }
0x6c: {  	s30 =	sand.u32 $0x1FFFFFF0, s3;
	s29 =	sadd.s32 s2, s29;
	s20 =	rddreg [dreg:$0x6]  }
0x6d: {  	[hbm:s7], [sflag:s20] =	dma.local [hbm:s26], $0x10  }
0x6e: {  	s31 =	sand.u32 $0x1FFFFFF0, s5;
	s5 =	sadd.s32 $0xFFFFFF50, s12;
	s21 =	rddreg [dreg:$0x7]  }
0x6f: {  	[hbm:s5], [sflag:s21] =	dma.local [hbm:s29], $0x10  }
0x70: {  	s3 =	sadd.s32 $0xFFFFFF60, s12;
	s30 =	sadd.s32 s2, s30;
	s22 =	rddreg [dreg:$0x8]  }
0x71: {  	[hbm:s3], [sflag:s22] =	dma.local [hbm:s30], $0x10  }
0x72: {  	s31 =	sadd.s32 s2, s31;
	s1 =	sand.u32 $0x1FFFFFF0, s1;
	s24 =	rddreg [dreg:$0x9]  }
0x73: {  	[hbm:s19], [sflag:s24] =	dma.local [hbm:s31], $0x10  }
0x74: {  	s0 =	sadd.s32 s2, s0;
	s4 =	sand.u32 $0x1FFFFFF0, s4;
	s25 =	rddreg [dreg:$0xa]  }
0x75: {  	[hbm:s14], [sflag:s25] =	dma.local [hbm:s0], $0x10  }
0x76: {  	s1 =	sadd.s32 s2, s1;
	s6 =	sand.u32 $0x1FFFFFF0, s6;
	s0 =	rddreg [dreg:$0x1e]  }
0x77: {  	[hbm:s0], [sflag:s23] =	dma.local [hbm:s1], $0x10  }
0x78: {  	s4 =	sadd.s32 s2, s4;
	s8 =	sand.u32 $0x1FFFFFF0, s8;
	s0 =	rddreg [dreg:$0x1c]  }
0x79: {  	[hbm:s0], [sflag:s16] =	dma.local [hbm:s4], $0x10  }
0x7a: {  	s6 =	sadd.s32 s2, s6;
	s9 =	sand.u32 $0x1FFFFFF0, s9;
	s0 =	rddreg [dreg:$0x17]  }
0x7b: {  	[hbm:s0], [sflag:s17] =	dma.local [hbm:s6], $0x10  }
0x7c: {  	s8 =	sadd.s32 s2, s8;
	s10 =	sand.u32 $0x1FFFFFF0, s10;
	s0 =	rddreg [dreg:$0x1d]  }
0x7d: {  	[hbm:s0], [sflag:s20] =	dma.local [hbm:s8], $0x10  }
0x7e: {  	s9 =	sadd.s32 s2, s9;
	s10 =	sadd.s32 s2, s10;
	s0 =	rddreg [dreg:$0x18]  }
0x7f: {  	[hbm:s0], [sflag:s21] =	dma.local [hbm:s9], $0x10  }
0x80: {  	s15 =	sand.u32 $0x1FFFFFF0, s15;
	s18 =	sand.u32 $0x1FFFFFF0, s18;
	s0 =	rddreg [dreg:$0x13]  }
0x81: {  	[hbm:s0], [sflag:s22] =	dma.local [hbm:s10], $0x10  }
0x82: {  	s15 =	sadd.s32 s2, s15;
	s7 =	sadd.s32 s2, s18;
	s0 =	rddreg [dreg:$0x19]  }
0x83: {  	[hbm:s0], [sflag:s24] =	dma.local [hbm:s15], $0x10  }
0x84: {  	[hbm:s12], [sflag:s25] =	dma.local [hbm:s7], $0x10  }
0x85: {  	v0 =	vld [tilespmem:s28+$0xFFFFFFF0];
	_ =	sdelay $0x4  }
0x86: {  	v0 =	vshll.u32 v0, $0x4  }
0x87: {  	(v2sf) =	vpush v0, $0x0  }
0x88: {  	(v2sf) =	vpush v0, $0x1  }
0x89: {  	(v2sf) =	vpush v0, $0x2  }
0x8a: {  	(v2sf) =	vpush v0, $0x3  }
0x8b: {  	(v2sf) =	vpush v0, $0x4  }
0x8c: {  	(v2sf) =	vpush v0, $0x5  }
0x8d: {  	(v2sf) =	vpush v0, $0x6  }
0x8e: {  	s11 =	sadd.s32 $0x200, s11;
	(v2sf) =	vpush v0, $0x7  }
0x8f: {  	s8 =	sadd.s32 $0xFFFFFF00, s11;
	(v2sf) =	vpush v0, $0x8  }
0x90: {  	s9 =	sadd.s32 $0xFFFFFED0, s11;
	[dreg:$0xc] =	wrdreg s8;
	(v2sf) =	vpush v0, $0x9  }
0x91: {  	s10 =	sadd.s32 $0xFFFFFEE0, s11;
	[dreg:$0xf] =	wrdreg s9;
	(v2sf) =	vpush v0, $0xA  }
0x92: {  	s13 =	sadd.s32 $0xFFFFFEF0, s11;
	[dreg:$0xe] =	wrdreg s10;
	(v2sf) =	vpush v0, $0xB  }
0x93: {  	s14 =	sadd.s32 $0xFFFFFEA0, s11;
	[dreg:$0xd] =	wrdreg s13;
	(v2sf) =	vpush v0, $0xC  }
0x94: {  	s18 =	sadd.s32 $0xFFFFFEB0, s11;
	[dreg:$0x12] =	wrdreg s14;
	(v2sf) =	vpush v0, $0xD  }
0x95: {  	s26 =	sadd.s32 $0xFFFFFE70, s11;
	s19 =	sadd.s32 $0xFFFFFEC0, s11;
	[dreg:$0x11] =	wrdreg s18;
	(v2sf) =	vpush v0, $0xE  }
0x96: {  	s29 =	sadd.s32 $0xFFFFFE80, s11;
	[dreg:$0x10] =	wrdreg s19;
	s3 =	spop (v2sf);
	(v2sf) =	vpush v0, $0xF  }
0x97: {  	s30 =	sadd.s32 $0xFFFFFE90, s11;
	[dreg:$0x16] =	wrdreg s26;
	s5 =	spop (v2sf)  }
0x98: {  	s31 =	sadd.s32 $0xFFFFFE50, s11;
	[dreg:$0x15] =	wrdreg s29;
	s7 =	spop (v2sf)  }
0x99: {  	s1 =	sadd.s32 $0xFFFFFE60, s11;
	[dreg:$0x14] =	wrdreg s30;
	s8 =	spop (v2sf)  }
0x9a: {  	s4 =	sadd.s32 $0xFFFFFE40, s11;
	[dreg:$0x1b] =	wrdreg s31;
	s9 =	spop (v2sf)  }
0x9b: {  	s15 =	smov.u32 s28;
	[dreg:$0x1a] =	wrdreg s1;
	s10 =	spop (v2sf)  }
0x9c: {  	[dreg:$0x1f] =	wrdreg s4;
	s0 =	sand.u32 $0x1FFFFFF0, s3;
	s13 =	spop (v2sf)  }
0x9d: {  	s28 =	sadd.s32 $0xFFFFFE10, s11;
	s29 =	sadd.s32 s2, s0;
	s14 =	spop (v2sf)  }
0x9e: {  	s6 =	sand.u32 $0x1FFFFFF0, s5;
	s1 =	sand.u32 $0x1FFFFFF0, s7;
	s19 =	spop (v2sf)  }
0x9f: {  	s26 =	sadd.s32 s2, s6;
	s18 =	sadd.s32 s2, s1;
	s30 =	spop (v2sf)  }
0xa0: {  	s3 =	sand.u32 $0x1FFFFFF0, s8;
	s4 =	sand.u32 $0x1FFFFFF0, s9;
	s31 =	spop (v2sf)  }
0xa1: {  	s5 =	sand.u32 $0x1FFFFFF0, s10;
	s6 =	sand.u32 $0x1FFFFFF0, s13;
	s0 =	spop (v2sf)  }
0xa2: {  	s7 =	sand.u32 $0x1FFFFFF0, s14;
	s8 =	sand.u32 $0x1FFFFFF0, s19;
	s1 =	spop (v2sf)  }
0xa3: {  	s9 =	sand.u32 $0x1FFFFFF0, s30;
	s10 =	sand.u32 $0x1FFFFFF0, s31;
	s14 =	spop (v2sf)  }
0xa4: {  	s13 =	sand.u32 $0x1FFFFFF0, s0;
	s30 =	sand.u32 $0x1FFFFFF0, s1;
	s19 =	spop (v2sf)  }
0xa5: {  	s31 =	sand.u32 $0x1FFFFFF0, s14;
	s0 =	sand.u32 $0x1FFFFFF0, s19;
	s14 =	spop (v2sf)  }
0xa6: {  	s19 =	sadd.s32 $0xFFFFFE30, s11;
	s1 =	sadd.s32 s2, s0;
	s0 =	sadd.s32 $0xFFFFFE20, s11  }
0xa7: {  	[hbm:s28], [sflag:s23] =	dma.local [hbm:s29], $0x10  }
0xa8: {  	[hbm:s0], [sflag:s16] =	dma.local [hbm:s26], $0x10  }
0xa9: {  	[hbm:s19], [sflag:s17] =	dma.local [hbm:s18], $0x10  }
0xaa: {  	s3 =	sadd.s32 s2, s3;
	s29 =	rddreg [dreg:$0x1f]  }
0xab: {  	[hbm:s29], [sflag:s20] =	dma.local [hbm:s3], $0x10  }
0xac: {  	s4 =	sadd.s32 s2, s4;
	s0 =	rddreg [dreg:$0x1b]  }
0xad: {  	[hbm:s0], [sflag:s21] =	dma.local [hbm:s4], $0x10  }
0xae: {  	s5 =	sadd.s32 s2, s5;
	s0 =	rddreg [dreg:$0x1a]  }
0xaf: {  	[hbm:s0], [sflag:s22] =	dma.local [hbm:s5], $0x10  }
0xb0: {  	s6 =	sadd.s32 s2, s6;
	s0 =	rddreg [dreg:$0x16]  }
0xb1: {  	[hbm:s0], [sflag:s24] =	dma.local [hbm:s6], $0x10  }
0xb2: {  	s7 =	sadd.s32 s2, s7;
	s0 =	rddreg [dreg:$0x15]  }
0xb3: {  	[hbm:s0], [sflag:s25] =	dma.local [hbm:s7], $0x10  }
0xb4: {  	s8 =	sadd.s32 s2, s8;
	s0 =	rddreg [dreg:$0x14]  }
0xb5: {  	[hbm:s0], [sflag:s23] =	dma.local [hbm:s8], $0x10  }
0xb6: {  	s9 =	sadd.s32 s2, s9;
	s0 =	rddreg [dreg:$0x12]  }
0xb7: {  	[hbm:s0], [sflag:s16] =	dma.local [hbm:s9], $0x10  }
0xb8: {  	s10 =	sadd.s32 s2, s10;
	s0 =	rddreg [dreg:$0x11]  }
0xb9: {  	[hbm:s0], [sflag:s17] =	dma.local [hbm:s10], $0x10  }
0xba: {  	s13 =	sadd.s32 s2, s13;
	s0 =	rddreg [dreg:$0x10]  }
0xbb: {  	[hbm:s0], [sflag:s20] =	dma.local [hbm:s13], $0x10  }
0xbc: {  	s30 =	sadd.s32 s2, s30;
	s0 =	rddreg [dreg:$0xf]  }
0xbd: {  	[hbm:s0], [sflag:s21] =	dma.local [hbm:s30], $0x10  }
0xbe: {  	s31 =	sadd.s32 s2, s31;
	s0 =	rddreg [dreg:$0xe]  }
0xbf: {  	[hbm:s0], [sflag:s22] =	dma.local [hbm:s31], $0x10  }
0xc0: {  	s14 =	sand.u32 $0x1FFFFFF0, s14;
	s0 =	rddreg [dreg:$0xd]  }
0xc1: {  	[hbm:s0], [sflag:s24] =	dma.local [hbm:s1], $0x10  }
0xc2: {  	s14 =	sadd.s32 s2, s14;
	s0 =	rddreg [dreg:$0xc]  }
0xc3: {  	[hbm:s0], [sflag:s25] =	dma.local [hbm:s14], $0x10  }
0xc4: {  	v0 =	vld [tilespmem:s15+$0x0];
	_ =	sdelay $0x4  }
0xc5: {  	v0 =	vshll.u32 v0, $0x4  }
0xc6: {  	(v2sf) =	vpush v0, $0x0;
	_ =	sdelay $0x1  }
0xc7: {  	(v2sf) =	vpush v0, $0x1  }
0xc8: {  	(v2sf) =	vpush v0, $0x2;
	_ =	sdelay $0x3  }
0xc9: {  	(v2sf) =	vpush v0, $0x3  }
0xca: {  	(v2sf) =	vpush v0, $0x4  }
0xcb: {  	(v2sf) =	vpush v0, $0x5  }
0xcc: {  	(v2sf) =	vpush v0, $0x6  }
0xcd: {  	(v2sf) =	vpush v0, $0x7  }
0xce: {  	(v2sf) =	vpush v0, $0x8  }
0xcf: {  	(v2sf) =	vpush v0, $0x9  }
.Ltmp0:
0xd0: {  	s12 =	smov.u32 s11;
	s28 =	sadd.s32 $0x20, s15;
	(v2sf) =	vpush v0, $0xA;
	(pc) =	sbr.rel @p0 .LBB2_1-.Ltmp0, $4  }
0xd1: {  	s26 =	sadd.s32 $0xFFFFFFB0, s11;
	s23 =	sadd.s32 $0xFFFFFFE0, s11;
	(v2sf) =	vpush v0, $0xB;
	s0 =	spop (v2sf)  }
0xd2: {  	s24 =	sadd.s32 $0xFFFFFFD0, s11;
	s14 =	sadd.s32 $0xFFFFFFF0, s11;
	(v2sf) =	vpush v0, $0xC;
	s0 =	sand.u32 $0x1FFFFFF0, s0  }
0xd3: {  	s25 =	sadd.s32 $0xFFFFFFC0, s11;
	(v2sf) =	vpush v0, $0xD;
	s31 =	spop (v2sf);
	s20 =	sadd.s32 s2, s0  }
0xd4: {  	(v2sf) =	vpush v0, $0xE;
	s0 =	rddreg [dreg:$0xb];
	s22 =	sand.u32 $0x1FFFFFF0, s31;
	s21 =	spop (v2sf)  }
0xd5: {  	(v2sf) =	vpush v0, $0xF;
	_ =	sdelay $0x2  }
0xd6: {  	s0 =	spop (v2sf)  }
0xd7: {  	s1 =	spop (v2sf)  }
0xd8: {  	s3 =	spop (v2sf)  }
0xd9: {  	s4 =	spop (v2sf)  }
0xda: {  	s5 =	spop (v2sf)  }
0xdb: {  	s6 =	spop (v2sf)  }
0xdc: {  	s7 =	spop (v2sf)  }
0xdd: {  	s8 =	spop (v2sf)  }
0xde: {  	s15 =	sadd.s32 $0xFFFFFF10, s12;
	s9 =	spop (v2sf)  }
0xdf: {  	s18 =	rddreg [dreg:$0x3];
	s17 =	sadd.s32 $0xFFFFFF20, s12;
	s10 =	spop (v2sf)  }
0xe0: {  	s28 =	sadd.s32 $0xFFFFFF30, s12;
	s29 =	sadd.s32 $0xFFFFFF40, s12;
	s11 =	spop (v2sf)  }
0xe1: {  	s31 =	sadd.s32 $0xFFFFFF50, s12;
	s0 =	sand.u32 $0x1FFFFFF0, s0;
	s13 =	spop (v2sf)  }
0xe2: {  	s0 =	sadd.s32 s2, s0;
	s30 =	sand.u32 $0x1FFFFFF0, s1;
	s16 =	spop (v2sf)  }
0xe3: {  	[hbm:s15], [sflag:s18] =	dma.local [hbm:s20], $0x10  }
0xe4: {  	s20 =	sadd.s32 s2, s22;
	s22 =	sand.u32 $0x1FFFFFF0, s21;
	s19 =	rddreg [dreg:$0x4]  }
0xe5: {  	[hbm:s17], [sflag:s19] =	dma.local [hbm:s20], $0x10  }
0xe6: {  	s1 =	sand.u32 $0x1FFFFFF0, s6;
	s15 =	sadd.s32 s2, s22;
	s20 =	rddreg [dreg:$0x5]  }
0xe7: {  	[hbm:s28], [sflag:s20] =	dma.local [hbm:s15], $0x10  }
0xe8: {  	s21 =	sand.u32 $0x1FFFFFF0, s3;
	s22 =	sadd.s32 $0xFFFFFF60, s12;
	s17 =	rddreg [dreg:$0x6]  }
0xe9: {  	[hbm:s29], [sflag:s17] =	dma.local [hbm:s0], $0x10  }
0xea: {  	s28 =	sand.u32 $0x1FFFFFF0, s4;
	s0 =	sadd.s32 s2, s30;
	s15 =	rddreg [dreg:$0x7]  }
0xeb: {  	[hbm:s31], [sflag:s15] =	dma.local [hbm:s0], $0x10  }
0xec: {  	s29 =	sadd.s32 $0xFFFFFF70, s12;
	s0 =	sadd.s32 s2, s21;
	s3 =	rddreg [dreg:$0x8]  }
0xed: {  	[hbm:s22], [sflag:s3] =	dma.local [hbm:s0], $0x10  }
0xee: {  	s30 =	sand.u32 $0x1FFFFFF0, s5;
	s0 =	sadd.s32 s2, s28;
	s4 =	rddreg [dreg:$0x9]  }
0xef: {  	[hbm:s29], [sflag:s4] =	dma.local [hbm:s0], $0x10  }
0xf0: {  	s31 =	sadd.s32 $0xFFFFFF80, s12;
	s0 =	sadd.s32 s2, s30;
	s5 =	rddreg [dreg:$0xa]  }
0xf1: {  	[hbm:s31], [sflag:s5] =	dma.local [hbm:s0], $0x10  }
0xf2: {  	s6 =	sadd.s32 $0xFFFFFF90, s12;
	s7 =	sand.u32 $0x1FFFFFF0, s7;
	s0 =	sadd.s32 s2, s1  }
0xf3: {  	[hbm:s6], [sflag:s18] =	dma.local [hbm:s0], $0x10  }
0xf4: {  	s21 =	sand.u32 $0x1FFFFFF0, s8;
	s18 =	sadd.s32 $0xFFFFFFA0, s12;
	s0 =	sadd.s32 s2, s7  }
0xf5: {  	[hbm:s18], [sflag:s19] =	dma.local [hbm:s0], $0x10  }
0xf6: {  	s22 =	sand.u32 $0x1FFFFFF0, s9;
	s0 =	sadd.s32 s2, s21  }
0xf7: {  	[hbm:s26], [sflag:s20] =	dma.local [hbm:s0], $0x10  }
0xf8: {  	s0 =	sadd.s32 s2, s22;
	s26 =	sand.u32 $0x1FFFFFF0, s10  }
0xf9: {  	[hbm:s25], [sflag:s17] =	dma.local [hbm:s0], $0x10  }
0xfa: {  	s28 =	sand.u32 $0x1FFFFFF0, s11;
	s0 =	sadd.s32 s2, s26  }
0xfb: {  	[hbm:s24], [sflag:s15] =	dma.local [hbm:s0], $0x10  }
0xfc: {  	s29 =	sand.u32 $0x1FFFFFF0, s13;
	s30 =	sand.u32 $0x1FFFFFF0, s16;
	s0 =	sadd.s32 s2, s28  }
0xfd: {  	[hbm:s23], [sflag:s3] =	dma.local [hbm:s0], $0x10  }
0xfe: {  	s31 =	sadd.s32 s2, s30;
	s0 =	sadd.s32 s2, s29;
	s2 =	simm.s32 $0x1  }
0xff: {  	[hbm:s14], [sflag:s4] =	dma.local [hbm:s0], $0x10  }
0x100: {  	[hbm:s12], [sflag:s5] =	dma.local [hbm:s31], $0x10  }
0x101: {  	_ =	swait.ge [sflag:s2], $0x10  }
0x102: {  	[sflag:s2] =	ssyncset.done $0x0  }
0x103: {  	s3 =	simm.s32 $0x2;
	[sflag:s2] =	ssyncadd.s32 $0xFFFFFFF0  }
0x104: {  	_ =	swait.ge [sflag:s3], $0x10  }
0x105: {  	[sflag:s3] =	ssyncset.done $0x0  }
0x106: {  	s4 =	simm.s32 $0x3;
	[sflag:s3] =	ssyncadd.s32 $0xFFFFFFF0  }
0x107: {  	_ =	swait.ge [sflag:s4], $0x10  }
0x108: {  	[sflag:s4] =	ssyncset.done $0x0  }
0x109: {  	s5 =	simm.s32 $0x4;
	[sflag:s4] =	ssyncadd.s32 $0xFFFFFFF0  }
0x10a: {  	_ =	swait.ge [sflag:s5], $0x10  }
0x10b: {  	[sflag:s5] =	ssyncset.done $0x0  }
0x10c: {  	s6 =	simm.s32 $0x5;
	[sflag:s5] =	ssyncadd.s32 $0xFFFFFFF0  }
0x10d: {  	_ =	swait.ge [sflag:s6], $0x10  }
0x10e: {  	[sflag:s6] =	ssyncset.done $0x0  }
0x10f: {  	s7 =	simm.s32 $0x6;
	[sflag:s6] =	ssyncadd.s32 $0xFFFFFFF0  }
0x110: {  	_ =	swait.ge [sflag:s7], $0x10  }
0x111: {  	[sflag:s7] =	ssyncset.done $0x0  }
0x112: {  	s8 =	simm.s32 $0x7;
	[sflag:s7] =	ssyncadd.s32 $0xFFFFFFF0  }
0x113: {  	_ =	swait.ge [sflag:s8], $0x10  }
0x114: {  	[sflag:s8] =	ssyncset.done $0x0  }
0x115: {  	s9 =	simm.s32 $0x8;
	[sflag:s8] =	ssyncadd.s32 $0xFFFFFFF0  }
0x116: {  	_ =	swait.ge [sflag:s9], $0x10  }
0x117: {  	[sflag:s9] =	ssyncset.done $0x0  }
0x118: {  	[sflag:s9] =	ssyncadd.s32 $0xFFFFFFF0  }
0x119: {  	_ =	swait.ge [sflag:s2], $0x10  }
0x11a: {  	[sflag:s2] =	ssyncset.done $0x0  }
0x11b: {  	[sflag:s2] =	ssyncadd.s32 $0xFFFFFFF0  }
0x11c: {  	_ =	swait.ge [sflag:s3], $0x10  }
0x11d: {  	[sflag:s3] =	ssyncset.done $0x0  }
0x11e: {  	[sflag:s3] =	ssyncadd.s32 $0xFFFFFFF0  }
0x11f: {  	_ =	swait.ge [sflag:s4], $0x10  }
0x120: {  	[sflag:s4] =	ssyncset.done $0x0  }
0x121: {  	[sflag:s4] =	ssyncadd.s32 $0xFFFFFFF0  }
0x122: {  	_ =	swait.ge [sflag:s5], $0x10  }
0x123: {  	[sflag:s5] =	ssyncset.done $0x0  }
0x124: {  	[sflag:s5] =	ssyncadd.s32 $0xFFFFFFF0  }
0x125: {  	_ =	swait.ge [sflag:s6], $0x10  }
0x126: {  	[sflag:s6] =	ssyncset.done $0x0  }
0x127: {  	[sflag:s6] =	ssyncadd.s32 $0xFFFFFFF0  }
0x128: {  	_ =	swait.ge [sflag:s7], $0x10  }
0x129: {  	[sflag:s7] =	ssyncset.done $0x0  }
0x12a: {  	[sflag:s7] =	ssyncadd.s32 $0xFFFFFFF0  }
0x12b: {  	_ =	swait.ge [sflag:s8], $0x10  }
0x12c: {  	[sflag:s8] =	ssyncset.done $0x0  }
0x12d: {  	[sflag:s8] =	ssyncadd.s32 $0xFFFFFFF0  }
0x12e: {  	_ =	swait.ge [sflag:s9], $0x10  }
0x12f: {  	[sflag:s9] =	ssyncset.done $0x0  }
0x130: {  	[sflag:s9] =	ssyncadd.s32 $0xFFFFFFF0  }
0x131: {  	_ =	swait.ge [sflag:s2], $0x10  }
0x132: {  	[sflag:s2] =	ssyncset.done $0x0  }
0x133: {  	[sflag:s2] =	ssyncadd.s32 $0xFFFFFFF0  }
0x134: {  	_ =	swait.ge [sflag:s3], $0x10  }
0x135: {  	[sflag:s3] =	ssyncset.done $0x0  }
0x136: {  	[sflag:s3] =	ssyncadd.s32 $0xFFFFFFF0  }
0x137: {  	_ =	swait.ge [sflag:s4], $0x10  }
0x138: {  	[sflag:s4] =	ssyncset.done $0x0  }
0x139: {  	[sflag:s4] =	ssyncadd.s32 $0xFFFFFFF0  }
0x13a: {  	_ =	swait.ge [sflag:s5], $0x10  }
0x13b: {  	[sflag:s5] =	ssyncset.done $0x0  }
0x13c: {  	[sflag:s5] =	ssyncadd.s32 $0xFFFFFFF0  }
0x13d: {  	_ =	swait.ge [sflag:s6], $0x10  }
0x13e: {  	[sflag:s6] =	ssyncset.done $0x0  }
0x13f: {  	[sflag:s6] =	ssyncadd.s32 $0xFFFFFFF0  }
0x140: {  	_ =	swait.ge [sflag:s7], $0x10  }
0x141: {  	[sflag:s7] =	ssyncset.done $0x0  }
0x142: {  	[sflag:s7] =	ssyncadd.s32 $0xFFFFFFF0  }
0x143: {  	_ =	swait.ge [sflag:s8], $0x10  }
0x144: {  	[sflag:s8] =	ssyncset.done $0x0  }
0x145: {  	[sflag:s8] =	ssyncadd.s32 $0xFFFFFFF0  }
0x146: {  	_ =	swait.ge [sflag:s9], $0x10  }
0x147: {  	[sflag:s9] =	ssyncset.done $0x0  }
0x148: {  	[sflag:s9] =	ssyncadd.s32 $0xFFFFFFF0  }
0x149: {  	_ =	swait.ge [sflag:s2], $0x10  }
0x14a: {  	[sflag:s2] =	ssyncset.done $0x0  }
0x14b: {  	[sflag:s2] =	ssyncadd.s32 $0xFFFFFFF0  }
0x14c: {  	_ =	swait.ge [sflag:s3], $0x10  }
0x14d: {  	[sflag:s3] =	ssyncset.done $0x0  }
0x14e: {  	[sflag:s3] =	ssyncadd.s32 $0xFFFFFFF0  }
0x14f: {  	_ =	swait.ge [sflag:s4], $0x10  }
0x150: {  	[sflag:s4] =	ssyncset.done $0x0  }
0x151: {  	[sflag:s4] =	ssyncadd.s32 $0xFFFFFFF0  }
0x152: {  	_ =	swait.ge [sflag:s5], $0x10  }
0x153: {  	[sflag:s5] =	ssyncset.done $0x0  }
0x154: {  	[sflag:s5] =	ssyncadd.s32 $0xFFFFFFF0  }
0x155: {  	_ =	swait.ge [sflag:s6], $0x10  }
0x156: {  	[sflag:s6] =	ssyncset.done $0x0  }
0x157: {  	[sflag:s6] =	ssyncadd.s32 $0xFFFFFFF0  }
0x158: {  	_ =	swait.ge [sflag:s7], $0x10  }
0x159: {  	[sflag:s7] =	ssyncset.done $0x0  }
0x15a: {  	[sflag:s7] =	ssyncadd.s32 $0xFFFFFFF0  }
0x15b: {  	_ =	swait.ge [sflag:s8], $0x10  }
0x15c: {  	[sflag:s8] =	ssyncset.done $0x0  }
0x15d: {  	[sflag:s8] =	ssyncadd.s32 $0xFFFFFFF0  }
0x15e: {  	_ =	swait.ge [sflag:s9], $0x10  }
0x15f: {  	s10 =	simm.s32 $0x0;
	[sflag:s9] =	ssyncset.done $0x0  }
.LBB2_3:
0x160: {  	s10 =	sadd.s32 $0x4, s10;
	[sflag:s9] =	ssyncadd.s32 $0xFFFFFFF0  }
0x161: {  	_ =	swait.ge [sflag:s2], $0x10;
	p0 =	slt.u32 s10, $0x7C  }
0x162: {  	[sflag:s2] =	ssyncset.done $0x0  }
0x163: {  	[sflag:s2] =	ssyncadd.s32 $0xFFFFFFF0  }
0x164: {  	_ =	swait.ge [sflag:s3], $0x10  }
0x165: {  	[sflag:s3] =	ssyncset.done $0x0  }
0x166: {  	[sflag:s3] =	ssyncadd.s32 $0xFFFFFFF0  }
0x167: {  	_ =	swait.ge [sflag:s4], $0x10  }
0x168: {  	[sflag:s4] =	ssyncset.done $0x0  }
0x169: {  	[sflag:s4] =	ssyncadd.s32 $0xFFFFFFF0  }
0x16a: {  	_ =	swait.ge [sflag:s5], $0x10  }
0x16b: {  	[sflag:s5] =	ssyncset.done $0x0  }
0x16c: {  	[sflag:s5] =	ssyncadd.s32 $0xFFFFFFF0  }
0x16d: {  	_ =	swait.ge [sflag:s6], $0x10  }
0x16e: {  	[sflag:s6] =	ssyncset.done $0x0  }
0x16f: {  	[sflag:s6] =	ssyncadd.s32 $0xFFFFFFF0  }
0x170: {  	_ =	swait.ge [sflag:s7], $0x10  }
0x171: {  	[sflag:s7] =	ssyncset.done $0x0  }
0x172: {  	[sflag:s7] =	ssyncadd.s32 $0xFFFFFFF0  }
0x173: {  	_ =	swait.ge [sflag:s8], $0x10  }
0x174: {  	[sflag:s8] =	ssyncset.done $0x0  }
0x175: {  	[sflag:s8] =	ssyncadd.s32 $0xFFFFFFF0  }
0x176: {  	_ =	swait.ge [sflag:s9], $0x10  }
0x177: {  	[sflag:s9] =	ssyncset.done $0x0  }
0x178: {  	[sflag:s9] =	ssyncadd.s32 $0xFFFFFFF0  }
0x179: {  	_ =	swait.ge [sflag:s2], $0x10  }
0x17a: {  	[sflag:s2] =	ssyncset.done $0x0  }
0x17b: {  	[sflag:s2] =	ssyncadd.s32 $0xFFFFFFF0  }
0x17c: {  	_ =	swait.ge [sflag:s3], $0x10  }
0x17d: {  	[sflag:s3] =	ssyncset.done $0x0  }
0x17e: {  	[sflag:s3] =	ssyncadd.s32 $0xFFFFFFF0  }
0x17f: {  	_ =	swait.ge [sflag:s4], $0x10  }
0x180: {  	[sflag:s4] =	ssyncset.done $0x0  }
0x181: {  	[sflag:s4] =	ssyncadd.s32 $0xFFFFFFF0  }
0x182: {  	_ =	swait.ge [sflag:s5], $0x10  }
0x183: {  	[sflag:s5] =	ssyncset.done $0x0  }
0x184: {  	[sflag:s5] =	ssyncadd.s32 $0xFFFFFFF0  }
0x185: {  	_ =	swait.ge [sflag:s6], $0x10  }
0x186: {  	[sflag:s6] =	ssyncset.done $0x0  }
0x187: {  	[sflag:s6] =	ssyncadd.s32 $0xFFFFFFF0  }
0x188: {  	_ =	swait.ge [sflag:s7], $0x10  }
0x189: {  	[sflag:s7] =	ssyncset.done $0x0  }
0x18a: {  	[sflag:s7] =	ssyncadd.s32 $0xFFFFFFF0  }
0x18b: {  	_ =	swait.ge [sflag:s8], $0x10  }
0x18c: {  	[sflag:s8] =	ssyncset.done $0x0  }
0x18d: {  	[sflag:s8] =	ssyncadd.s32 $0xFFFFFFF0  }
0x18e: {  	_ =	swait.ge [sflag:s9], $0x10  }
0x18f: {  	[sflag:s9] =	ssyncset.done $0x0  }
0x190: {  	[sflag:s9] =	ssyncadd.s32 $0xFFFFFFF0  }
0x191: {  	_ =	swait.ge [sflag:s2], $0x10  }
0x192: {  	[sflag:s2] =	ssyncset.done $0x0  }
0x193: {  	[sflag:s2] =	ssyncadd.s32 $0xFFFFFFF0  }
0x194: {  	_ =	swait.ge [sflag:s3], $0x10  }
0x195: {  	[sflag:s3] =	ssyncset.done $0x0  }
0x196: {  	[sflag:s3] =	ssyncadd.s32 $0xFFFFFFF0  }
0x197: {  	_ =	swait.ge [sflag:s4], $0x10  }
0x198: {  	[sflag:s4] =	ssyncset.done $0x0  }
0x199: {  	[sflag:s4] =	ssyncadd.s32 $0xFFFFFFF0  }
0x19a: {  	_ =	swait.ge [sflag:s5], $0x10  }
0x19b: {  	[sflag:s5] =	ssyncset.done $0x0  }
0x19c: {  	[sflag:s5] =	ssyncadd.s32 $0xFFFFFFF0  }
0x19d: {  	_ =	swait.ge [sflag:s6], $0x10  }
0x19e: {  	[sflag:s6] =	ssyncset.done $0x0  }
0x19f: {  	[sflag:s6] =	ssyncadd.s32 $0xFFFFFFF0  }
0x1a0: {  	_ =	swait.ge [sflag:s7], $0x10  }
0x1a1: {  	[sflag:s7] =	ssyncset.done $0x0  }
0x1a2: {  	[sflag:s7] =	ssyncadd.s32 $0xFFFFFFF0  }
0x1a3: {  	_ =	swait.ge [sflag:s8], $0x10  }
0x1a4: {  	[sflag:s8] =	ssyncset.done $0x0  }
0x1a5: {  	[sflag:s8] =	ssyncadd.s32 $0xFFFFFFF0  }
0x1a6: {  	_ =	swait.ge [sflag:s9], $0x10  }
0x1a7: {  	[sflag:s9] =	ssyncset.done $0x0  }
0x1a8: {  	[sflag:s9] =	ssyncadd.s32 $0xFFFFFFF0  }
0x1a9: {  	_ =	swait.ge [sflag:s2], $0x10  }
0x1aa: {  	[sflag:s2] =	ssyncset.done $0x0  }
0x1ab: {  	[sflag:s2] =	ssyncadd.s32 $0xFFFFFFF0  }
0x1ac: {  	_ =	swait.ge [sflag:s3], $0x10  }
0x1ad: {  	[sflag:s3] =	ssyncset.done $0x0  }
0x1ae: {  	[sflag:s3] =	ssyncadd.s32 $0xFFFFFFF0  }
0x1af: {  	_ =	swait.ge [sflag:s4], $0x10  }
0x1b0: {  	[sflag:s4] =	ssyncset.done $0x0  }
0x1b1: {  	[sflag:s4] =	ssyncadd.s32 $0xFFFFFFF0  }
0x1b2: {  	_ =	swait.ge [sflag:s5], $0x10  }
0x1b3: {  	[sflag:s5] =	ssyncset.done $0x0  }
0x1b4: {  	[sflag:s5] =	ssyncadd.s32 $0xFFFFFFF0  }
0x1b5: {  	_ =	swait.ge [sflag:s6], $0x10  }
0x1b6: {  	[sflag:s6] =	ssyncset.done $0x0  }
0x1b7: {  	[sflag:s6] =	ssyncadd.s32 $0xFFFFFFF0  }
0x1b8: {  	_ =	swait.ge [sflag:s7], $0x10  }
0x1b9: {  	[sflag:s7] =	ssyncset.done $0x0  }
0x1ba: {  	[sflag:s7] =	ssyncadd.s32 $0xFFFFFFF0  }
.Ltmp1:
0x1bb: {  	_ =	swait.ge [sflag:s8], $0x10;
	(pc) =	sbr.rel @p0 .LBB2_3-.Ltmp1, $4  }
0x1bc: {  	[sflag:s8] =	ssyncset.done $0x0  }
0x1bd: {  	[sflag:s8] =	ssyncadd.s32 $0xFFFFFFF0  }
0x1be: {  	_ =	swait.ge [sflag:s9], $0x10  }
0x1bf: {  	[sflag:s9] =	ssyncset.done $0x0  }
0x1c0: {  	[sflag:s9] =	ssyncadd.s32 $0xFFFFFFF0  }
0x1c1: {  	_ =	sfence.sel $0x180000  }
0x1c2: {  	[bflag:$0x0] =	sbarrier.arrive $0xFFFF  }
0x1c3: {  	_ =	strace $0x90000047  }
0x1c4: {  	s0 =	stileid.u32;
	[bflag:$0x2] =	sbarrier.arrive $0xFFFF  }
0x1c5: {  	p0 =	sne.s32 s0, $0x0;
	s0 =	rddreg [dreg:$0x2]  }
0x1c6: {  	s0 =	sadd.s32 @!p0 $0x100000, s0  }
0x1c7: {  	[sflag:s0] =	ssyncadd.tile.s32 @!p0 $0x1;
	_ =	shalt  }
.Lfunc_end2:
_tile_overlayer_lowered:
.L_overlay_start_2:
0x1c8: {  	(tag) =	ssettag $0x2  }
0x1c9: {  	s0 =	rddreg [dreg:$0x0];
	s2 =	stileid.u32  }
0x1ca: {  	s1 =	rddreg [dreg:$0x1];
	p0 =	sne.s32 s2, $0x0  }
0x1cb: {  	s3 =	rddreg [dreg:$0x2];
	[bflag:$0x3] =	sbarrier.arrive $0xFFFF;
	s2 =	simm.s32 @!p0 $0x1C09  }
0x1cc: {  	[timem:s3], [sflag:s2] =	dma.local @!p0 [hbm:s0], s1  }
0x1cd: {  	s0 =	simm.s32 @!p0 $0x9  }
0x1ce: {  	_ =	swait.ge @!p0 [sflag:s0], s1  }
0x1cf: {  	s1 =	ssub.s32 @!p0 $0x0, s1;
	[sflag:s0] =	ssyncset.done @!p0 $0x0  }
0x1d0: {  	[sflag:s0] =	ssyncadd.s32 @!p0 s1  }
0x1d1: {  	[bflag:$0x3] =	sbarrier.arrive $0xFFFF  }
0x1d2: {  	_ =	shalt  }

</sc_bundles>
